<compile_context>
chip_gen: v7x
topology: tpu7x:2x2x1
jax: 0.10.2.dev20260603
libtpu: 0.0.44.dev20260713+nightly
codegen_flags: <defaults>
</compile_context>

<pallas_src>
import functools
import math

import jax
import jax.numpy as jnp
from jax import lax
from jax.experimental import pallas as pl
from jax.experimental.pallas import tpu as pltpu
from jax.experimental.pallas import tpu_sc as plsc

N = 5000
NPAD = 5120
KOSC = 28
KP = 32
BM = 1024
THRESH = 0.3
EPS = 1e-6
TWO_PI = 2.0 * math.pi

NW = 32
NSETS = 2
COLS_W = NPAD // NW
LSTRIDE = COLS_W + 1
NBEST = NSETS * 16 * LSTRIDE
NBEST_PAD = (NBEST + 63) // 64 * 64
ROWS_W = NPAD // NW
NCHUNK = NPAD // 16
BIG = 1 << 30


BMP = 2560


def _phase_body(dt_ref, dt1_ref, w1_ref, b1_ref, w2_ref, b2_ref, fr_ref, ph_ref):
    is_t = pl.program_id(0) < NPAD // BMP
    d = jnp.where(is_t, dt_ref[...], dt1_ref[...])
    hT = jax.nn.relu(
        jax.lax.dot_general(w1_ref[...], d, (((0,), (1,)), ((), ())))
        + b1_ref[...])
    phase = (jax.lax.dot_general(w2_ref[...], hT, (((0,), (0,)), ((), ())))
             + b2_ref[...]) % TWO_PI
    fr = fr_ref[...]
    evolved = phase
    for _ in range(5):
        evolved = (evolved + TWO_PI * fr * 0.01) % TWO_PI
    ph_ref[...] = jnp.where(is_t, evolved, phase)


_NBLK_T = NPAD // BMP

_phase_call = pl.pallas_call(
    _phase_body,
    grid=(2 * NPAD // BMP,),
    in_specs=[
        pl.BlockSpec((BMP, 4), lambda i: (jnp.minimum(i, _NBLK_T - 1), 0)),
        pl.BlockSpec((BMP, 4),
                     lambda i: (jnp.clip(i - _NBLK_T, 0, _NBLK_T - 1), 0)),
        pl.BlockSpec((4, 64), lambda i: (0, 0)),
        pl.BlockSpec((64, 1), lambda i: (0, 0)),
        pl.BlockSpec((64, KP), lambda i: (0, 0)),
        pl.BlockSpec((KP, 1), lambda i: (0, 0)),
        pl.BlockSpec((KP, 1), lambda i: (0, 0)),
    ],
    out_specs=pl.BlockSpec((KP, BMP), lambda i: (0, i)),
    out_shape=jax.ShapeDtypeStruct((KP, 2 * NPAD), jnp.float32),
)


def _sim_body(ac_ref, as_ref, bc_ref, bs_ref, sim_ref, mx_ref, mi_ref):
    dn = (((0,), (0,)), ((), ()))
    s = (jax.lax.dot_general(ac_ref[...], bc_ref[...], dn)
         + jax.lax.dot_general(as_ref[...], bs_ref[...], dn))
    sim_ref[...] = s
    col = jax.lax.broadcasted_iota(jnp.int32, (BM, NPAD), 1)
    mx = jnp.max(s, axis=1)
    mi = jnp.min(jnp.where(s == mx[:, None], col, 2 ** 30), axis=1)
    mx_ref[...] = mx
    mi_ref[...] = mi


_sim_call = pl.pallas_call(
    _sim_body,
    grid=(NPAD // BM,),
    in_specs=[
        pl.BlockSpec((KP, BM), lambda i: (0, i)),
        pl.BlockSpec((KP, BM), lambda i: (0, i)),
        pl.BlockSpec((KP, NPAD), lambda i: (0, 1)),
        pl.BlockSpec((KP, NPAD), lambda i: (0, 1)),
    ],
    out_specs=[
        pl.BlockSpec((BM, NPAD), lambda i: (i, 0)),
        pl.BlockSpec((BM,), lambda i: (i,)),
        pl.BlockSpec((BM,), lambda i: (i,)),
    ],
    out_shape=[
        jax.ShapeDtypeStruct((N, N), jnp.float32),
        jax.ShapeDtypeStruct((NPAD,), jnp.float32),
        jax.ShapeDtypeStruct((NPAD,), jnp.int32),
    ],
    compiler_params=pltpu.CompilerParams(vmem_limit_bytes=100 * 1024 * 1024),
)


_SC_MESH = plsc.VectorSubcoreMesh(core_axis_name="c", subcore_axis_name="s")


def _match_a_body(sims_hbm, idxs_hbm, colwin_hbm, sims_v, idxs_v, bestk_v,
                  besti_v, colwin_v):
    w = lax.axis_index("s") * 2 + lax.axis_index("c")
    lo = w * COLS_W
    pltpu.sync_copy(sims_hbm, sims_v)
    pltpu.sync_copy(idxs_hbm, idxs_v)

    zero16 = jnp.zeros((16,), jnp.float32)
    big16 = jnp.full((16,), BIG, jnp.int32)

    def init(c, _):
        for u in range(4):
            bestk_v[pl.ds(c * 64 + u * 16, 16)] = zero16
            besti_v[pl.ds(c * 64 + u * 16, 16)] = big16
        return 0

    lax.fori_loop(0, NBEST_PAD // 64, init, 0)

    iota16 = lax.iota(jnp.int32, 16)
    lane_base = iota16 * LSTRIDE

    def pass_a(u, _):
        for s in range(NSETS):
            t = u * NSETS + s
            sv = sims_v[pl.ds(t * 16, 16)]
            jv = idxs_v[pl.ds(t * 16, 16)]
            key = jnp.where(sv > THRESH, sv, 0.0)
            jl = jnp.clip(jv - lo, 0, COLS_W - 1)
            owned = (jv >= lo) & (jv < lo + COLS_W) & (key > 0.0)
            rowid = t * 16 + iota16
            flat = s * (16 * LSTRIDE) + lane_base + jl
            cur_k = plsc.load_gather(bestk_v, [flat])
            cur_i = plsc.load_gather(besti_v, [flat])
            winm = owned & (key > cur_k)
            plsc.store_scatter(bestk_v, [flat], jnp.where(winm, key, cur_k))
            plsc.store_scatter(besti_v, [flat], jnp.where(winm, rowid, cur_i))
        return 0

    lax.fori_loop(0, NCHUNK // NSETS, pass_a, 0)

    def merge(c, _):
        acc_k = bestk_v[pl.ds(c * 16, 16)]
        acc_i = besti_v[pl.ds(c * 16, 16)]
        for sl in range(1, NSETS * 16):
            k = bestk_v[pl.ds(sl * LSTRIDE + c * 16, 16)]
            i = besti_v[pl.ds(sl * LSTRIDE + c * 16, 16)]
            better = (k > acc_k) | ((k == acc_k) & (i < acc_i))
            acc_k = jnp.where(better, k, acc_k)
            acc_i = jnp.where(better, i, acc_i)
        colwin_v[pl.ds(c * 16, 16)] = acc_i
        return 0

    lax.fori_loop(0, COLS_W // 16, merge, 0)
    pltpu.sync_copy(colwin_v, colwin_hbm.at[pl.ds(lo, COLS_W)])


_match_a = functools.partial(
    pl.kernel,
    out_type=jax.ShapeDtypeStruct((NPAD,), jnp.int32),
    mesh=_SC_MESH,
    compiler_params=pltpu.CompilerParams(needs_layout_passes=False),
    scratch_types=[
        pltpu.VMEM((NPAD,), jnp.float32),
        pltpu.VMEM((NPAD,), jnp.int32),
        pltpu.VMEM((NBEST_PAD,), jnp.float32),
        pltpu.VMEM((NBEST_PAD,), jnp.int32),
        pltpu.VMEM((COLS_W,), jnp.int32),
    ],
)(_match_a_body)


def _match_b_body(sims_hbm, idxs_hbm, colwin_hbm, out_hbm, sims_v, idxs_v,
                  colwin_v, match_v):
    w = lax.axis_index("s") * 2 + lax.axis_index("c")
    rlo = w * ROWS_W
    pltpu.sync_copy(colwin_hbm, colwin_v)
    pltpu.sync_copy(sims_hbm.at[pl.ds(rlo, ROWS_W)], sims_v)
    pltpu.sync_copy(idxs_hbm.at[pl.ds(rlo, ROWS_W)], idxs_v)

    iota16 = lax.iota(jnp.int32, 16)
    neg16 = jnp.full((16,), -1, jnp.int32)

    def rowph(t, _):
        sv = sims_v[pl.ds(t * 16, 16)]
        jv = idxs_v[pl.ds(t * 16, 16)]
        rowid = rlo + t * 16 + iota16
        winner = plsc.load_gather(colwin_v, [jv])
        ok = (sv > THRESH) & (winner == rowid)
        match_v[pl.ds(t * 16, 16)] = jnp.where(ok, jv, neg16)
        return 0

    lax.fori_loop(0, ROWS_W // 16, rowph, 0)
    pltpu.sync_copy(match_v, out_hbm.at[pl.ds(rlo, ROWS_W)])


_match_b = functools.partial(
    pl.kernel,
    out_type=jax.ShapeDtypeStruct((NPAD,), jnp.int32),
    mesh=_SC_MESH,
    compiler_params=pltpu.CompilerParams(needs_layout_passes=False),
    scratch_types=[
        pltpu.VMEM((ROWS_W,), jnp.float32),
        pltpu.VMEM((ROWS_W,), jnp.int32),
        pltpu.VMEM((NPAD,), jnp.int32),
        pltpu.VMEM((ROWS_W,), jnp.int32),
    ],
)(_match_b_body)


def kernel(detections_t, detections_t1, Wp1, bp1, Wp2, bp2, Wa1, ba1, Wa2, ba2):
    del Wa1, ba1, Wa2, ba2

    b1 = bp1[:, None]
    w2 = jnp.pad(Wp2, ((0, 0), (0, KP - KOSC)))
    b2 = jnp.pad(bp2, (0, KP - KOSC))[:, None]
    freqs = jnp.concatenate([
        jnp.full((4,), 2.0, jnp.float32),
        jnp.full((8,), 6.0, jnp.float32),
        jnp.full((16,), 40.0, jnp.float32),
    ])
    fr = jnp.pad(freqs, (0, KP - KOSC))[:, None]

    ph = _phase_call(detections_t, detections_t1, Wp1, b1, w2, b2, fr)

    osc_ok = jax.lax.broadcasted_iota(jnp.int32, (KP, 1), 0) < KOSC
    col = jax.lax.broadcasted_iota(jnp.int32, (1, 2 * NPAD), 1)
    row_ok = (col < N) | ((col >= NPAD) & (col < NPAD + N))
    mask = osc_ok & row_ok
    re = jnp.where(mask, jnp.cos(ph), 0.0)
    im = jnp.where(mask, jnp.sin(ph), 0.0)
    nrm = jnp.sqrt(jnp.sum(re * re + im * im, axis=0, keepdims=True)) + EPS
    ra = re / nrm
    ia = im / nrm

    sim, mx, mi = _sim_call(ra, ia, ra, ia)

    colwin = _match_a(mx, mi)
    matches_p = _match_b(mx, mi, colwin)
    return matches_p[:N], sim

# --- scband reference (transcript-rebuilt; emitter-appended) ---
"""Pipeline reference for scband-phase-tracker-static-16286515986739 (READ-ONLY COPY).

The authoritative reference and input builder live on the scoring server;
editing this copy changes nothing except your own understanding.
"""

import math
import jax, jax.numpy as jnp
import numpy as np

N_DELTA = 4
N_THETA = 8
N_GAMMA = 16
N_OSC = N_DELTA + N_THETA + N_GAMMA
N_STEPS = 5
THRESH = 0.3
EPS = 1e-6
N_T = 5000
N_T1 = 5000
DET_DIM = 4


def _lin_init(k, fan_in, fan_out):
    bound = 1.0 / np.sqrt(fan_in)
    kw, kb = jax.random.split(k)
    W = jax.random.uniform(kw, (fan_in, fan_out), jnp.float32, -bound, bound)
    b = jax.random.uniform(kb, (fan_out,), jnp.float32, -bound, bound)
    return W, b


def setup_inputs(seed: int = 0) -> dict:
    key = jax.random.key(seed)
    ks = jax.random.split(key, 6)
    detections_t = jax.random.normal(ks[0], (N_T, DET_DIM), jnp.float32)
    detections_t1 = jax.random.normal(ks[1], (N_T1, DET_DIM), jnp.float32)
    Wp1, bp1 = _lin_init(ks[2], DET_DIM, 64)
    Wp2, bp2 = _lin_init(ks[3], 64, N_OSC)
    Wa1, ba1 = _lin_init(ks[4], DET_DIM, 64)
    Wa2, ba2 = _lin_init(ks[5], 64, N_OSC)
    return {
        'detections_t': detections_t,
        'detections_t1': detections_t1,
        'Wp1': Wp1, 'bp1': bp1, 'Wp2': Wp2, 'bp2': bp2,
        'Wa1': Wa1, 'ba1': ba1, 'Wa2': Wa2, 'ba2': ba2,
    }


def reference(detections_t, detections_t1, Wp1, bp1, Wp2, bp2, Wa1, ba1, Wa2, ba2):
    two_pi = 2.0 * math.pi
    freqs = jnp.concatenate([
        jnp.full((N_DELTA,), 2.0, jnp.float32),
        jnp.full((N_THETA,), 6.0, jnp.float32),
        jnp.full((N_GAMMA,), 40.0, jnp.float32),
    ])

    def encode(d):
        h = jax.nn.relu(d @ Wp1 + bp1)
        phase = (h @ Wp2 + bp2) % two_pi
        h2 = jax.nn.relu(d @ Wa1 + ba1)
        amp = jax.nn.softplus(h2 @ Wa2 + ba2)
        return phase, amp

    phase_t, amp_t = encode(detections_t)
    phase_t1, amp_t1 = encode(detections_t1)

    # evolve: simple phase advance, no coupling
    dt = 0.01
    for _ in range(N_STEPS):
        phase_t = (phase_t + two_pi * freqs * dt) % two_pi

    # phase similarity: real part of <z_a_norm, conj(z_b_norm)> with z = exp(i*phase)
    def unit(p):
        re = jnp.cos(p)
        im = jnp.sin(p)
        nrm = jnp.sqrt(jnp.sum(re * re + im * im, axis=-1, keepdims=True)) + EPS
        return re / nrm, im / nrm

    ra, ia = unit(phase_t)
    rb, ib = unit(phase_t1)
    sim = ra @ rb.T + ia @ ib.T  # [N_t, N_t1]

    # greedy matching (sequential, highest-confidence first)
    max_sims = jnp.max(sim, axis=1)
    max_idxs = jnp.argmax(sim, axis=1)
    order = jnp.argsort(-max_sims)
    matches0 = jnp.full((N_T,), -1, jnp.int32)
    used0 = jnp.zeros((N_T1,), bool)

    def step(carry, idx):
        matches, used = carry
        j = max_idxs[idx]
        ok = jnp.logical_and(jnp.logical_not(used[j]), max_sims[idx] > THRESH)
        matches = matches.at[idx].set(jnp.where(ok, j.astype(jnp.int32), matches[idx]))
        used = used.at[j].set(jnp.logical_or(used[j], ok))
        return (matches, used), None

    (matches, used), _ = jax.lax.scan(step, (matches0, used0), order)
    return matches, sim

if __name__ == "__main__":
    import jax
    _d = setup_inputs()
    print(jax.jit(kernel)(*tuple(_d.values())))

</pallas_src>

<mosaic_0001>
#map = affine_map<(d0, d1) -> (0)>
module attributes {stable_mosaic.version = 14 : i64} {
  func.func @_match_a_body(%arg0: i32, %arg1: i32, %arg2: memref<5120xf32, #tpu.memory_space<hbm>>, %arg3: memref<5120xi32, #tpu.memory_space<hbm>>, %arg4: memref<5120xi32, #tpu.memory_space<hbm>>, %arg5: memref<5120xf32, #tpu.memory_space<vmem>>, %arg6: memref<5120xi32, #tpu.memory_space<vmem>>, %arg7: memref<5184xf32, #tpu.memory_space<vmem>>, %arg8: memref<5184xi32, #tpu.memory_space<vmem>>, %arg9: memref<160xi32, #tpu.memory_space<vmem>>) attributes {dimension_semantics = [#tpu.dimension_semantics<core_parallel>, #tpu.dimension_semantics<subcore_parallel>], iteration_bounds = array<i64: 2, 16>, scalar_prefetch = 0 : i64, scratch_operands = 5 : i64, tpu.core_type = #tpu.core_type<sc_vector_subcore>, window_params = [{transform_indices = #map}, {transform_indices = #map}, {transform_indices = #map}]} {
    %mul3A = arith.constant 2 : i32
    %mul3A_0 = arith.muli %arg1, %mul3A : i32
    %add3A = arith.addi %mul3A_0, %arg0 : i32
    %mul3A_1 = arith.constant 160 : i32
    %mul3A_2 = arith.muli %add3A, %mul3A_1 : i32
    "tpu.region"() ({
      %run_scoped3A = tpu.sem_alloc : memref<!tpu.dma_semaphore, #tpu.memory_space<semaphore_mem>>
      tpu.enqueue_dma source(%arg2 : memref<5120xf32, #tpu.memory_space<hbm>>) target(%arg5 : memref<5120xf32, #tpu.memory_space<vmem>>) target_semaphore(%run_scoped3A : memref<!tpu.dma_semaphore, #tpu.memory_space<semaphore_mem>>)
      tpu.wait_dma2 semaphore(%run_scoped3A : memref<!tpu.dma_semaphore, #tpu.memory_space<semaphore_mem>>) src(%arg2 : memref<5120xf32, #tpu.memory_space<hbm>>) dst(%arg5 : memref<5120xf32, #tpu.memory_space<vmem>>)
      tpu.yield
    }) : () -> ()
    "tpu.region"() ({
      %run_scoped3A = tpu.sem_alloc : memref<!tpu.dma_semaphore, #tpu.memory_space<semaphore_mem>>
      tpu.enqueue_dma source(%arg3 : memref<5120xi32, #tpu.memory_space<hbm>>) target(%arg6 : memref<5120xi32, #tpu.memory_space<vmem>>) target_semaphore(%run_scoped3A : memref<!tpu.dma_semaphore, #tpu.memory_space<semaphore_mem>>)
      tpu.wait_dma2 semaphore(%run_scoped3A : memref<!tpu.dma_semaphore, #tpu.memory_space<semaphore_mem>>) src(%arg3 : memref<5120xi32, #tpu.memory_space<hbm>>) dst(%arg6 : memref<5120xi32, #tpu.memory_space<vmem>>)
      tpu.yield
    }) : () -> ()
    %broadcast_in_dim3A = arith.constant 0.000000e+00 : f32
    %broadcast_in_dim3A_3 = vector.broadcast %broadcast_in_dim3A : f32 to vector<16xf32>
    %broadcast_in_dim3A_4 = arith.constant 1073741824 : i32
    %broadcast_in_dim3A_5 = vector.broadcast %broadcast_in_dim3A_4 : i32 to vector<16xi32>
    %scan3A = arith.constant 0 : i32
    %scan3A_6 = arith.constant 0 : i32
    %scan3A_7 = arith.constant 81 : i32
    %scan3A_8 = arith.addi %scan3A_6, %scan3A_7 : i32
    %scan3A_9 = arith.constant 1 : i32
    %scan3A_10 = scf.for %scan3A_29 = %scan3A_6 to %scan3A_8 step %scan3A_9 iter_args(%scan3A_30 = %scan3A) -> (i32)  : i32 {
      %mul3A_31 = arith.constant 64 : i32
      %mul3A_32 = arith.muli %scan3A_29, %mul3A_31 : i32
      %add3A_33 = arith.constant 0 : i32
      %add3A_34 = arith.addi %mul3A_32, %add3A_33 : i32
      %swap3A = arith.index_cast %add3A_34 : i32 to index
      %swap3A_35 = tpu.vector_load %arg7[%swap3A] {strides = array<i32>} : memref<5184xf32, #tpu.memory_space<vmem>>, vector<16xf32>,
      tpu.vector_store %arg7[%swap3A], %broadcast_in_dim3A_3 {strides = array<i32>} : memref<5184xf32, #tpu.memory_space<vmem>>, vector<16xf32>,
      %mul3A_36 = arith.constant 64 : i32
      %mul3A_37 = arith.muli %scan3A_29, %mul3A_36 : i32
      %add3A_38 = arith.constant 0 : i32
      %add3A_39 = arith.addi %mul3A_37, %add3A_38 : i32
      %swap3A_40 = arith.index_cast %add3A_39 : i32 to index
      %swap3A_41 = tpu.vector_load %arg8[%swap3A_40] {strides = array<i32>} : memref<5184xi32, #tpu.memory_space<vmem>>, vector<16xi32>,
      tpu.vector_store %arg8[%swap3A_40], %broadcast_in_dim3A_5 {strides = array<i32>} : memref<5184xi32, #tpu.memory_space<vmem>>, vector<16xi32>,
      %mul3A_42 = arith.constant 64 : i32
      %mul3A_43 = arith.muli %scan3A_29, %mul3A_42 : i32
      %add3A_44 = arith.constant 16 : i32
      %add3A_45 = arith.addi %mul3A_43, %add3A_44 : i32
      %swap3A_46 = arith.index_cast %add3A_45 : i32 to index
      %swap3A_47 = tpu.vector_load %arg7[%swap3A_46] {strides = array<i32>} : memref<5184xf32, #tpu.memory_space<vmem>>, vector<16xf32>,
      tpu.vector_store %arg7[%swap3A_46], %broadcast_in_dim3A_3 {strides = array<i32>} : memref<5184xf32, #tpu.memory_space<vmem>>, vector<16xf32>,
      %mul3A_48 = arith.constant 64 : i32
      %mul3A_49 = arith.muli %scan3A_29, %mul3A_48 : i32
      %add3A_50 = arith.constant 16 : i32
      %add3A_51 = arith.addi %mul3A_49, %add3A_50 : i32
      %swap3A_52 = arith.index_cast %add3A_51 : i32 to index
      %swap3A_53 = tpu.vector_load %arg8[%swap3A_52] {strides = array<i32>} : memref<5184xi32, #tpu.memory_space<vmem>>, vector<16xi32>,
      tpu.vector_store %arg8[%swap3A_52], %broadcast_in_dim3A_5 {strides = array<i32>} : memref<5184xi32, #tpu.memory_space<vmem>>, vector<16xi32>,
      %mul3A_54 = arith.constant 64 : i32
      %mul3A_55 = arith.muli %scan3A_29, %mul3A_54 : i32
      %add3A_56 = arith.constant 32 : i32
      %add3A_57 = arith.addi %mul3A_55, %add3A_56 : i32
      %swap3A_58 = arith.index_cast %add3A_57 : i32 to index
      %swap3A_59 = tpu.vector_load %arg7[%swap3A_58] {strides = array<i32>} : memref<5184xf32, #tpu.memory_space<vmem>>, vector<16xf32>,
      tpu.vector_store %arg7[%swap3A_58], %broadcast_in_dim3A_3 {strides = array<i32>} : memref<5184xf32, #tpu.memory_space<vmem>>, vector<16xf32>,
      %mul3A_60 = arith.constant 64 : i32
      %mul3A_61 = arith.muli %scan3A_29, %mul3A_60 : i32
      %add3A_62 = arith.constant 32 : i32
      %add3A_63 = arith.addi %mul3A_61, %add3A_62 : i32
      %swap3A_64 = arith.index_cast %add3A_63 : i32 to index
      %swap3A_65 = tpu.vector_load %arg8[%swap3A_64] {strides = array<i32>} : memref<5184xi32, #tpu.memory_space<vmem>>, vector<16xi32>,
      tpu.vector_store %arg8[%swap3A_64], %broadcast_in_dim3A_5 {strides = array<i32>} : memref<5184xi32, #tpu.memory_space<vmem>>, vector<16xi32>,
      %mul3A_66 = arith.constant 64 : i32
      %mul3A_67 = arith.muli %scan3A_29, %mul3A_66 : i32
      %add3A_68 = arith.constant 48 : i32
      %add3A_69 = arith.addi %mul3A_67, %add3A_68 : i32
      %swap3A_70 = arith.index_cast %add3A_69 : i32 to index
      %swap3A_71 = tpu.vector_load %arg7[%swap3A_70] {strides = array<i32>} : memref<5184xf32, #tpu.memory_space<vmem>>, vector<16xf32>,
      tpu.vector_store %arg7[%swap3A_70], %broadcast_in_dim3A_3 {strides = array<i32>} : memref<5184xf32, #tpu.memory_space<vmem>>, vector<16xf32>,
      %mul3A_72 = arith.constant 64 : i32
      %mul3A_73 = arith.muli %scan3A_29, %mul3A_72 : i32
      %add3A_74 = arith.constant 48 : i32
      %add3A_75 = arith.addi %mul3A_73, %add3A_74 : i32
      %swap3A_76 = arith.index_cast %add3A_75 : i32 to index
      %swap3A_77 = tpu.vector_load %arg8[%swap3A_76] {strides = array<i32>} : memref<5184xi32, #tpu.memory_space<vmem>>, vector<16xi32>,
      tpu.vector_store %arg8[%swap3A_76], %broadcast_in_dim3A_5 {strides = array<i32>} : memref<5184xi32, #tpu.memory_space<vmem>>, vector<16xi32>,
      %scan3A_78 = arith.constant 0 : i32
      scf.yield %scan3A_78 : i32
    }
    %scan3A_11 = arith.constant 81 : i32
    %iota3A = tpu.iota {dimensions = array<i32: 0>} : vector<16xi32>
    %mul3A_12 = arith.constant 161 : i32
    %mul3A_13 = vector.broadcast %mul3A_12 : i32 to vector<16xi32>
    %mul3A_14 = arith.muli %iota3A, %mul3A_13 : vector<16xi32>
    %scan3A_15 = arith.constant 0 : i32
    %scan3A_16 = arith.constant 0 : i32
    %scan3A_17 = arith.constant 160 : i32
    %scan3A_18 = arith.addi %scan3A_16, %scan3A_17 : i32
    %scan3A_19 = arith.constant 1 : i32
    %scan3A_20 = scf.for %scan3A_29 = %scan3A_16 to %scan3A_18 step %scan3A_19 iter_args(%scan3A_30 = %scan3A_15) -> (i32)  : i32 {
      %mul3A_31 = arith.constant 2 : i32
      %mul3A_32 = arith.muli %scan3A_29, %mul3A_31 : i32
      %add3A_33 = arith.constant 0 : i32
      %add3A_34 = arith.addi %mul3A_32, %add3A_33 : i32
      %mul3A_35 = arith.constant 16 : i32
      %mul3A_36 = arith.muli %add3A_34, %mul3A_35 : i32
      %get3A = arith.index_cast %mul3A_36 : i32 to index
      %get3A_37 = tpu.vector_load %arg5[%get3A] {strides = array<i32>} : memref<5120xf32, #tpu.memory_space<vmem>>, vector<16xf32>,
      %mul3A_38 = arith.constant 16 : i32
      %mul3A_39 = arith.muli %add3A_34, %mul3A_38 : i32
      %get3A_40 = arith.index_cast %mul3A_39 : i32 to index
      %get3A_41 = tpu.vector_load %arg6[%get3A_40] {strides = array<i32>} : memref<5120xi32, #tpu.memory_space<vmem>>, vector<16xi32>,
      %gt3A = arith.constant 3.000000e-01 : f32
      %gt3A_42 = vector.broadcast %gt3A : f32 to vector<16xf32>
      %gt3A_43 = arith.cmpf ogt, %get3A_37, %gt3A_42 : vector<16xf32>
      %jit3A = arith.constant 0.000000e+00 : f32
      %broadcast_in_dim3A_44 = vector.broadcast %jit3A : f32 to vector<16xf32>
      %select_n3A = arith.select %gt3A_43, %get3A_37, %broadcast_in_dim3A_44 : vector<16xi1>, vector<16xf32>
      %sub3A = vector.broadcast %mul3A_2 : i32 to vector<16xi32>
      %sub3A_45 = arith.subi %get3A_41, %sub3A : vector<16xi32>
      %jit3A_46 = arith.constant 0 : i32
      %jit3A_47 = arith.constant 159 : i32
      %max3A = vector.broadcast %jit3A_46 : i32 to vector<16xi32>
      %max3A_48 = arith.maxsi %max3A, %sub3A_45 : vector<16xi32>
      %min3A = vector.broadcast %jit3A_47 : i32 to vector<16xi32>
      %min3A_49 = arith.minsi %min3A, %max3A_48 : vector<16xi32>
      %ge3A = vector.broadcast %mul3A_2 : i32 to vector<16xi32>
      %ge3A_50 = arith.cmpi sge, %get3A_41, %ge3A : vector<16xi32>
      %add3A_51 = arith.constant 160 : i32
      %add3A_52 = arith.addi %mul3A_2, %add3A_51 : i32
      %lt3A = vector.broadcast %add3A_52 : i32 to vector<16xi32>
      %lt3A_53 = arith.cmpi slt, %get3A_41, %lt3A : vector<16xi32>
      %and3A = arith.andi %ge3A_50, %lt3A_53 : vector<16xi1>
      %gt3A_54 = arith.constant 0.000000e+00 : f32
      %gt3A_55 = vector.broadcast %gt3A_54 : f32 to vector<16xf32>
      %gt3A_56 = arith.cmpf ogt, %select_n3A, %gt3A_55 : vector<16xf32>
      %and3A_57 = arith.andi %and3A, %gt3A_56 : vector<16xi1>
      %mul3A_58 = arith.constant 16 : i32
      %mul3A_59 = arith.muli %add3A_34, %mul3A_58 : i32
      %add3A_60 = vector.broadcast %mul3A_59 : i32 to vector<16xi32>
      %add3A_61 = arith.addi %add3A_60, %iota3A : vector<16xi32>
      %add3A_62 = arith.constant 0 : i32
      %add3A_63 = vector.broadcast %add3A_62 : i32 to vector<16xi32>
      %add3A_64 = arith.addi %add3A_63, %mul3A_14 : vector<16xi32>
      %add3A_65 = arith.addi %add3A_64, %min3A_49 : vector<16xi32>
      %gather3A = tpu.vector_load_idx %arg7[%add3A_65] : memref<5184xf32, #tpu.memory_space<vmem>>[vector<16xi32>], vector<16xf32>,
      %gather3A_66 = tpu.vector_load_idx %arg8[%add3A_65] : memref<5184xi32, #tpu.memory_space<vmem>>[vector<16xi32>], vector<16xi32>,
      %gt3A_67 = arith.cmpf ogt, %select_n3A, %gather3A : vector<16xf32>
      %and3A_68 = arith.andi %and3A_57, %gt3A_67 : vector<16xi1>
      %select_n3A_69 = arith.select %and3A_68, %select_n3A, %gather3A : vector<16xi1>, vector<16xf32>
      tpu.vector_store_idx %arg7[%add3A_65], %select_n3A_69 : memref<5184xf32, #tpu.memory_space<vmem>>[vector<16xi32>], vector<16xf32>,
      %select_n3A_70 = arith.select %and3A_68, %add3A_61, %gather3A_66 : vector<16xi1>, vector<16xi32>
      tpu.vector_store_idx %arg8[%add3A_65], %select_n3A_70 : memref<5184xi32, #tpu.memory_space<vmem>>[vector<16xi32>], vector<16xi32>,
      %mul3A_71 = arith.constant 2 : i32
      %mul3A_72 = arith.muli %scan3A_29, %mul3A_71 : i32
      %add3A_73 = arith.constant 1 : i32
      %add3A_74 = arith.addi %mul3A_72, %add3A_73 : i32
      %mul3A_75 = arith.constant 16 : i32
      %mul3A_76 = arith.muli %add3A_74, %mul3A_75 : i32
      %get3A_77 = arith.index_cast %mul3A_76 : i32 to index
      %get3A_78 = tpu.vector_load %arg5[%get3A_77] {strides = array<i32>} : memref<5120xf32, #tpu.memory_space<vmem>>, vector<16xf32>,
      %mul3A_79 = arith.constant 16 : i32
      %mul3A_80 = arith.muli %add3A_74, %mul3A_79 : i32
      %get3A_81 = arith.index_cast %mul3A_80 : i32 to index
      %get3A_82 = tpu.vector_load %arg6[%get3A_81] {strides = array<i32>} : memref<5120xi32, #tpu.memory_space<vmem>>, vector<16xi32>,
      %gt3A_83 = arith.constant 3.000000e-01 : f32
      %gt3A_84 = vector.broadcast %gt3A_83 : f32 to vector<16xf32>
      %gt3A_85 = arith.cmpf ogt, %get3A_78, %gt3A_84 : vector<16xf32>
      %jit3A_86 = arith.constant 0.000000e+00 : f32
      %broadcast_in_dim3A_87 = vector.broadcast %jit3A_86 : f32 to vector<16xf32>
      %select_n3A_88 = arith.select %gt3A_85, %get3A_78, %broadcast_in_dim3A_87 : vector<16xi1>, vector<16xf32>
      %sub3A_89 = vector.broadcast %mul3A_2 : i32 to vector<16xi32>
      %sub3A_90 = arith.subi %get3A_82, %sub3A_89 : vector<16xi32>
      %jit3A_91 = arith.constant 0 : i32
      %jit3A_92 = arith.constant 159 : i32
      %max3A_93 = vector.broadcast %jit3A_91 : i32 to vector<16xi32>
      %max3A_94 = arith.maxsi %max3A_93, %sub3A_90 : vector<16xi32>
      %min3A_95 = vector.broadcast %jit3A_92 : i32 to vector<16xi32>
      %min3A_96 = arith.minsi %min3A_95, %max3A_94 : vector<16xi32>
      %ge3A_97 = vector.broadcast %mul3A_2 : i32 to vector<16xi32>
      %ge3A_98 = arith.cmpi sge, %get3A_82, %ge3A_97 : vector<16xi32>
      %add3A_99 = arith.constant 160 : i32
      %add3A_100 = arith.addi %mul3A_2, %add3A_99 : i32
      %lt3A_101 = vector.broadcast %add3A_100 : i32 to vector<16xi32>
      %lt3A_102 = arith.cmpi slt, %get3A_82, %lt3A_101 : vector<16xi32>
      %and3A_103 = arith.andi %ge3A_98, %lt3A_102 : vector<16xi1>
      %gt3A_104 = arith.constant 0.000000e+00 : f32
      %gt3A_105 = vector.broadcast %gt3A_104 : f32 to vector<16xf32>
      %gt3A_106 = arith.cmpf ogt, %select_n3A_88, %gt3A_105 : vector<16xf32>
      %and3A_107 = arith.andi %and3A_103, %gt3A_106 : vector<16xi1>
      %mul3A_108 = arith.constant 16 : i32
      %mul3A_109 = arith.muli %add3A_74, %mul3A_108 : i32
      %add3A_110 = vector.broadcast %mul3A_109 : i32 to vector<16xi32>
      %add3A_111 = arith.addi %add3A_110, %iota3A : vector<16xi32>
      %add3A_112 = arith.constant 2576 : i32
      %add3A_113 = vector.broadcast %add3A_112 : i32 to vector<16xi32>
      %add3A_114 = arith.addi %add3A_113, %mul3A_14 : vector<16xi32>
      %add3A_115 = arith.addi %add3A_114, %min3A_96 : vector<16xi32>
      %gather3A_116 = tpu.vector_load_idx %arg7[%add3A_115] : memref<5184xf32, #tpu.memory_space<vmem>>[vector<16xi32>], vector<16xf32>,
      %gather3A_117 = tpu.vector_load_idx %arg8[%add3A_115] : memref<5184xi32, #tpu.memory_space<vmem>>[vector<16xi32>], vector<16xi32>,
      %gt3A_118 = arith.cmpf ogt, %select_n3A_88, %gather3A_116 : vector<16xf32>
      %and3A_119 = arith.andi %and3A_107, %gt3A_118 : vector<16xi1>
      %select_n3A_120 = arith.select %and3A_119, %select_n3A_88, %gather3A_116 : vector<16xi1>, vector<16xf32>
      tpu.vector_store_idx %arg7[%add3A_115], %select_n3A_120 : memref<5184xf32, #tpu.memory_space<vmem>>[vector<16xi32>], vector<16xf32>,
      %select_n3A_121 = arith.select %and3A_119, %add3A_111, %gather3A_117 : vector<16xi1>, vector<16xi32>
      tpu.vector_store_idx %arg8[%add3A_115], %select_n3A_121 : memref<5184xi32, #tpu.memory_space<vmem>>[vector<16xi32>], vector<16xi32>,
      %scan3A_122 = arith.constant 0 : i32
      scf.yield %scan3A_122 : i32
    }
    %scan3A_21 = arith.constant 160 : i32
    %scan3A_22 = arith.constant 0 : i32
    %scan3A_23 = arith.constant 0 : i32
    %scan3A_24 = arith.constant 10 : i32
    %scan3A_25 = arith.addi %scan3A_23, %scan3A_24 : i32
    %scan3A_26 = arith.constant 1 : i32
    %scan3A_27 = scf.for %scan3A_29 = %scan3A_23 to %scan3A_25 step %scan3A_26 iter_args(%scan3A_30 = %scan3A_22) -> (i32)  : i32 {
      %mul3A_31 = arith.constant 16 : i32
      %mul3A_32 = arith.muli %scan3A_29, %mul3A_31 : i32
      %get3A = arith.index_cast %mul3A_32 : i32 to index
      %get3A_33 = tpu.vector_load %arg7[%get3A] {strides = array<i32>} : memref<5184xf32, #tpu.memory_space<vmem>>, vector<16xf32>,
      %mul3A_34 = arith.constant 16 : i32
      %mul3A_35 = arith.muli %scan3A_29, %mul3A_34 : i32
      %get3A_36 = arith.index_cast %mul3A_35 : i32 to index
      %get3A_37 = tpu.vector_load %arg8[%get3A_36] {strides = array<i32>} : memref<5184xi32, #tpu.memory_space<vmem>>, vector<16xi32>,
      %mul3A_38 = arith.constant 16 : i32
      %mul3A_39 = arith.muli %scan3A_29, %mul3A_38 : i32
      %add3A_40 = arith.constant 161 : i32
      %add3A_41 = arith.addi %add3A_40, %mul3A_39 : i32
      %get3A_42 = arith.index_cast %add3A_41 : i32 to index
      %get3A_43 = tpu.vector_load %arg7[%get3A_42] {strides = array<i32>} : memref<5184xf32, #tpu.memory_space<vmem>>, vector<16xf32>,
      %mul3A_44 = arith.constant 16 : i32
      %mul3A_45 = arith.muli %scan3A_29, %mul3A_44 : i32
      %add3A_46 = arith.constant 161 : i32
      %add3A_47 = arith.addi %add3A_46, %mul3A_45 : i32
      %get3A_48 = arith.index_cast %add3A_47 : i32 to index
      %get3A_49 = tpu.vector_load %arg8[%get3A_48] {strides = array<i32>} : memref<5184xi32, #tpu.memory_space<vmem>>, vector<16xi32>,
      %gt3A = arith.cmpf ogt, %get3A_43, %get3A_33 : vector<16xf32>
      %eq3A = arith.cmpf oeq, %get3A_43, %get3A_33 : vector<16xf32>
      %lt3A = arith.cmpi slt, %get3A_49, %get3A_37 : vector<16xi32>
      %and3A = arith.andi %eq3A, %lt3A : vector<16xi1>
      %or3A = arith.ori %gt3A, %and3A : vector<16xi1>
      %select_n3A = arith.select %or3A, %get3A_43, %get3A_33 : vector<16xi1>, vector<16xf32>
      %select_n3A_50 = arith.select %or3A, %get3A_49, %get3A_37 : vector<16xi1>, vector<16xi32>
      %mul3A_51 = arith.constant 16 : i32
      %mul3A_52 = arith.muli %scan3A_29, %mul3A_51 : i32
      %add3A_53 = arith.constant 322 : i32
      %add3A_54 = arith.addi %add3A_53, %mul3A_52 : i32
      %get3A_55 = arith.index_cast %add3A_54 : i32 to index
      %get3A_56 = tpu.vector_load %arg7[%get3A_55] {strides = array<i32>} : memref<5184xf32, #tpu.memory_space<vmem>>, vector<16xf32>,
      %mul3A_57 = arith.constant 16 : i32
      %mul3A_58 = arith.muli %scan3A_29, %mul3A_57 : i32
      %add3A_59 = arith.constant 322 : i32
      %add3A_60 = arith.addi %add3A_59, %mul3A_58 : i32
      %get3A_61 = arith.index_cast %add3A_60 : i32 to index
      %get3A_62 = tpu.vector_load %arg8[%get3A_61] {strides = array<i32>} : memref<5184xi32, #tpu.memory_space<vmem>>, vector<16xi32>,
      %gt3A_63 = arith.cmpf ogt, %get3A_56, %select_n3A : vector<16xf32>
      %eq3A_64 = arith.cmpf oeq, %get3A_56, %select_n3A : vector<16xf32>
      %lt3A_65 = arith.cmpi slt, %get3A_62, %select_n3A_50 : vector<16xi32>
      %and3A_66 = arith.andi %eq3A_64, %lt3A_65 : vector<16xi1>
      %or3A_67 = arith.ori %gt3A_63, %and3A_66 : vector<16xi1>
      %select_n3A_68 = arith.select %or3A_67, %get3A_56, %select_n3A : vector<16xi1>, vector<16xf32>
      %select_n3A_69 = arith.select %or3A_67, %get3A_62, %select_n3A_50 : vector<16xi1>, vector<16xi32>
      %mul3A_70 = arith.constant 16 : i32
      %mul3A_71 = arith.muli %scan3A_29, %mul3A_70 : i32
      %add3A_72 = arith.constant 483 : i32
      %add3A_73 = arith.addi %add3A_72, %mul3A_71 : i32
      %get3A_74 = arith.index_cast %add3A_73 : i32 to index
      %get3A_75 = tpu.vector_load %arg7[%get3A_74] {strides = array<i32>} : memref<5184xf32, #tpu.memory_space<vmem>>, vector<16xf32>,
      %mul3A_76 = arith.constant 16 : i32
      %mul3A_77 = arith.muli %scan3A_29, %mul3A_76 : i32
      %add3A_78 = arith.constant 483 : i32
      %add3A_79 = arith.addi %add3A_78, %mul3A_77 : i32
      %get3A_80 = arith.index_cast %add3A_79 : i32 to index
      %get3A_81 = tpu.vector_load %arg8[%get3A_80] {strides = array<i32>} : memref<5184xi32, #tpu.memory_space<vmem>>, vector<16xi32>,
      %gt3A_82 = arith.cmpf ogt, %get3A_75, %select_n3A_68 : vector<16xf32>
      %eq3A_83 = arith.cmpf oeq, %get3A_75, %select_n3A_68 : vector<16xf32>
      %lt3A_84 = arith.cmpi slt, %get3A_81, %select_n3A_69 : vector<16xi32>
      %and3A_85 = arith.andi %eq3A_83, %lt3A_84 : vector<16xi1>
      %or3A_86 = arith.ori %gt3A_82, %and3A_85 : vector<16xi1>
      %select_n3A_87 = arith.select %or3A_86, %get3A_75, %select_n3A_68 : vector<16xi1>, vector<16xf32>
      %select_n3A_88 = arith.select %or3A_86, %get3A_81, %select_n3A_69 : vector<16xi1>, vector<16xi32>
      %mul3A_89 = arith.constant 16 : i32
      %mul3A_90 = arith.muli %scan3A_29, %mul3A_89 : i32
      %add3A_91 = arith.constant 644 : i32
      %add3A_92 = arith.addi %add3A_91, %mul3A_90 : i32
      %get3A_93 = arith.index_cast %add3A_92 : i32 to index
      %get3A_94 = tpu.vector_load %arg7[%get3A_93] {strides = array<i32>} : memref<5184xf32, #tpu.memory_space<vmem>>, vector<16xf32>,
      %mul3A_95 = arith.constant 16 : i32
      %mul3A_96 = arith.muli %scan3A_29, %mul3A_95 : i32
      %add3A_97 = arith.constant 644 : i32
      %add3A_98 = arith.addi %add3A_97, %mul3A_96 : i32
      %get3A_99 = arith.index_cast %add3A_98 : i32 to index
      %get3A_100 = tpu.vector_load %arg8[%get3A_99] {strides = array<i32>} : memref<5184xi32, #tpu.memory_space<vmem>>, vector<16xi32>,
      %gt3A_101 = arith.cmpf ogt, %get3A_94, %select_n3A_87 : vector<16xf32>
      %eq3A_102 = arith.cmpf oeq, %get3A_94, %select_n3A_87 : vector<16xf32>
      %lt3A_103 = arith.cmpi slt, %get3A_100, %select_n3A_88 : vector<16xi32>
      %and3A_104 = arith.andi %eq3A_102, %lt3A_103 : vector<16xi1>
      %or3A_105 = arith.ori %gt3A_101, %and3A_104 : vector<16xi1>
      %select_n3A_106 = arith.select %or3A_105, %get3A_94, %select_n3A_87 : vector<16xi1>, vector<16xf32>
      %select_n3A_107 = arith.select %or3A_105, %get3A_100, %select_n3A_88 : vector<16xi1>, vector<16xi32>
      %mul3A_108 = arith.constant 16 : i32
      %mul3A_109 = arith.muli %scan3A_29, %mul3A_108 : i32
      %add3A_110 = arith.constant 805 : i32
      %add3A_111 = arith.addi %add3A_110, %mul3A_109 : i32
      %get3A_112 = arith.index_cast %add3A_111 : i32 to index
      %get3A_113 = tpu.vector_load %arg7[%get3A_112] {strides = array<i32>} : memref<5184xf32, #tpu.memory_space<vmem>>, vector<16xf32>,
      %mul3A_114 = arith.constant 16 : i32
      %mul3A_115 = arith.muli %scan3A_29, %mul3A_114 : i32
      %add3A_116 = arith.constant 805 : i32
      %add3A_117 = arith.addi %add3A_116, %mul3A_115 : i32
      %get3A_118 = arith.index_cast %add3A_117 : i32 to index
      %get3A_119 = tpu.vector_load %arg8[%get3A_118] {strides = array<i32>} : memref<5184xi32, #tpu.memory_space<vmem>>, vector<16xi32>,
      %gt3A_120 = arith.cmpf ogt, %get3A_113, %select_n3A_106 : vector<16xf32>
      %eq3A_121 = arith.cmpf oeq, %get3A_113, %select_n3A_106 : vector<16xf32>
      %lt3A_122 = arith.cmpi slt, %get3A_119, %select_n3A_107 : vector<16xi32>
      %and3A_123 = arith.andi %eq3A_121, %lt3A_122 : vector<16xi1>
      %or3A_124 = arith.ori %gt3A_120, %and3A_123 : vector<16xi1>
      %select_n3A_125 = arith.select %or3A_124, %get3A_113, %select_n3A_106 : vector<16xi1>, vector<16xf32>
      %select_n3A_126 = arith.select %or3A_124, %get3A_119, %select_n3A_107 : vector<16xi1>, vector<16xi32>
      %mul3A_127 = arith.constant 16 : i32
      %mul3A_128 = arith.muli %scan3A_29, %mul3A_127 : i32
      %add3A_129 = arith.constant 966 : i32
      %add3A_130 = arith.addi %add3A_129, %mul3A_128 : i32
      %get3A_131 = arith.index_cast %add3A_130 : i32 to index
      %get3A_132 = tpu.vector_load %arg7[%get3A_131] {strides = array<i32>} : memref<5184xf32, #tpu.memory_space<vmem>>, vector<16xf32>,
      %mul3A_133 = arith.constant 16 : i32
      %mul3A_134 = arith.muli %scan3A_29, %mul3A_133 : i32
      %add3A_135 = arith.constant 966 : i32
      %add3A_136 = arith.addi %add3A_135, %mul3A_134 : i32
      %get3A_137 = arith.index_cast %add3A_136 : i32 to index
      %get3A_138 = tpu.vector_load %arg8[%get3A_137] {strides = array<i32>} : memref<5184xi32, #tpu.memory_space<vmem>>, vector<16xi32>,
      %gt3A_139 = arith.cmpf ogt, %get3A_132, %select_n3A_125 : vector<16xf32>
      %eq3A_140 = arith.cmpf oeq, %get3A_132, %select_n3A_125 : vector<16xf32>
      %lt3A_141 = arith.cmpi slt, %get3A_138, %select_n3A_126 : vector<16xi32>
      %and3A_142 = arith.andi %eq3A_140, %lt3A_141 : vector<16xi1>
      %or3A_143 = arith.ori %gt3A_139, %and3A_142 : vector<16xi1>
      %select_n3A_144 = arith.select %or3A_143, %get3A_132, %select_n3A_125 : vector<16xi1>, vector<16xf32>
      %select_n3A_145 = arith.select %or3A_143, %get3A_138, %select_n3A_126 : vector<16xi1>, vector<16xi32>
      %mul3A_146 = arith.constant 16 : i32
      %mul3A_147 = arith.muli %scan3A_29, %mul3A_146 : i32
      %add3A_148 = arith.constant 1127 : i32
      %add3A_149 = arith.addi %add3A_148, %mul3A_147 : i32
      %get3A_150 = arith.index_cast %add3A_149 : i32 to index
      %get3A_151 = tpu.vector_load %arg7[%get3A_150] {strides = array<i32>} : memref<5184xf32, #tpu.memory_space<vmem>>, vector<16xf32>,
      %mul3A_152 = arith.constant 16 : i32
      %mul3A_153 = arith.muli %scan3A_29, %mul3A_152 : i32
      %add3A_154 = arith.constant 1127 : i32
      %add3A_155 = arith.addi %add3A_154, %mul3A_153 : i32
      %get3A_156 = arith.index_cast %add3A_155 : i32 to index
      %get3A_157 = tpu.vector_load %arg8[%get3A_156] {strides = array<i32>} : memref<5184xi32, #tpu.memory_space<vmem>>, vector<16xi32>,
      %gt3A_158 = arith.cmpf ogt, %get3A_151, %select_n3A_144 : vector<16xf32>
      %eq3A_159 = arith.cmpf oeq, %get3A_151, %select_n3A_144 : vector<16xf32>
      %lt3A_160 = arith.cmpi slt, %get3A_157, %select_n3A_145 : vector<16xi32>
      %and3A_161 = arith.andi %eq3A_159, %lt3A_160 : vector<16xi1>
      %or3A_162 = arith.ori %gt3A_158, %and3A_161 : vector<16xi1>
      %select_n3A_163 = arith.select %or3A_162, %get3A_151, %select_n3A_144 : vector<16xi1>, vector<16xf32>
      %select_n3A_164 = arith.select %or3A_162, %get3A_157, %select_n3A_145 : vector<16xi1>, vector<16xi32>
      %mul3A_165 = arith.constant 16 : i32
      %mul3A_166 = arith.muli %scan3A_29, %mul3A_165 : i32
      %add3A_167 = arith.constant 1288 : i32
      %add3A_168 = arith.addi %add3A_167, %mul3A_166 : i32
      %get3A_169 = arith.index_cast %add3A_168 : i32 to index
      %get3A_170 = tpu.vector_load %arg7[%get3A_169] {strides = array<i32>} : memref<5184xf32, #tpu.memory_space<vmem>>, vector<16xf32>,
      %mul3A_171 = arith.constant 16 : i32
      %mul3A_172 = arith.muli %scan3A_29, %mul3A_171 : i32
      %add3A_173 = arith.constant 1288 : i32
      %add3A_174 = arith.addi %add3A_173, %mul3A_172 : i32
      %get3A_175 = arith.index_cast %add3A_174 : i32 to index
      %get3A_176 = tpu.vector_load %arg8[%get3A_175] {strides = array<i32>} : memref<5184xi32, #tpu.memory_space<vmem>>, vector<16xi32>,
      %gt3A_177 = arith.cmpf ogt, %get3A_170, %select_n3A_163 : vector<16xf32>
      %eq3A_178 = arith.cmpf oeq, %get3A_170, %select_n3A_163 : vector<16xf32>
      %lt3A_179 = arith.cmpi slt, %get3A_176, %select_n3A_164 : vector<16xi32>
      %and3A_180 = arith.andi %eq3A_178, %lt3A_179 : vector<16xi1>
      %or3A_181 = arith.ori %gt3A_177, %and3A_180 : vector<16xi1>
      %select_n3A_182 = arith.select %or3A_181, %get3A_170, %select_n3A_163 : vector<16xi1>, vector<16xf32>
      %select_n3A_183 = arith.select %or3A_181, %get3A_176, %select_n3A_164 : vector<16xi1>, vector<16xi32>
      %mul3A_184 = arith.constant 16 : i32
      %mul3A_185 = arith.muli %scan3A_29, %mul3A_184 : i32
      %add3A_186 = arith.constant 1449 : i32
      %add3A_187 = arith.addi %add3A_186, %mul3A_185 : i32
      %get3A_188 = arith.index_cast %add3A_187 : i32 to index
      %get3A_189 = tpu.vector_load %arg7[%get3A_188] {strides = array<i32>} : memref<5184xf32, #tpu.memory_space<vmem>>, vector<16xf32>,
      %mul3A_190 = arith.constant 16 : i32
      %mul3A_191 = arith.muli %scan3A_29, %mul3A_190 : i32
      %add3A_192 = arith.constant 1449 : i32
      %add3A_193 = arith.addi %add3A_192, %mul3A_191 : i32
      %get3A_194 = arith.index_cast %add3A_193 : i32 to index
      %get3A_195 = tpu.vector_load %arg8[%get3A_194] {strides = array<i32>} : memref<5184xi32, #tpu.memory_space<vmem>>, vector<16xi32>,
      %gt3A_196 = arith.cmpf ogt, %get3A_189, %select_n3A_182 : vector<16xf32>
      %eq3A_197 = arith.cmpf oeq, %get3A_189, %select_n3A_182 : vector<16xf32>
      %lt3A_198 = arith.cmpi slt, %get3A_195, %select_n3A_183 : vector<16xi32>
      %and3A_199 = arith.andi %eq3A_197, %lt3A_198 : vector<16xi1>
      %or3A_200 = arith.ori %gt3A_196, %and3A_199 : vector<16xi1>
      %select_n3A_201 = arith.select %or3A_200, %get3A_189, %select_n3A_182 : vector<16xi1>, vector<16xf32>
      %select_n3A_202 = arith.select %or3A_200, %get3A_195, %select_n3A_183 : vector<16xi1>, vector<16xi32>
      %mul3A_203 = arith.constant 16 : i32
      %mul3A_204 = arith.muli %scan3A_29, %mul3A_203 : i32
      %add3A_205 = arith.constant 1610 : i32
      %add3A_206 = arith.addi %add3A_205, %mul3A_204 : i32
      %get3A_207 = arith.index_cast %add3A_206 : i32 to index
      %get3A_208 = tpu.vector_load %arg7[%get3A_207] {strides = array<i32>} : memref<5184xf32, #tpu.memory_space<vmem>>, vector<16xf32>,
      %mul3A_209 = arith.constant 16 : i32
      %mul3A_210 = arith.muli %scan3A_29, %mul3A_209 : i32
      %add3A_211 = arith.constant 1610 : i32
      %add3A_212 = arith.addi %add3A_211, %mul3A_210 : i32
      %get3A_213 = arith.index_cast %add3A_212 : i32 to index
      %get3A_214 = tpu.vector_load %arg8[%get3A_213] {strides = array<i32>} : memref<5184xi32, #tpu.memory_space<vmem>>, vector<16xi32>,
      %gt3A_215 = arith.cmpf ogt, %get3A_208, %select_n3A_201 : vector<16xf32>
      %eq3A_216 = arith.cmpf oeq, %get3A_208, %select_n3A_201 : vector<16xf32>
      %lt3A_217 = arith.cmpi slt, %get3A_214, %select_n3A_202 : vector<16xi32>
      %and3A_218 = arith.andi %eq3A_216, %lt3A_217 : vector<16xi1>
      %or3A_219 = arith.ori %gt3A_215, %and3A_218 : vector<16xi1>
      %select_n3A_220 = arith.select %or3A_219, %get3A_208, %select_n3A_201 : vector<16xi1>, vector<16xf32>
      %select_n3A_221 = arith.select %or3A_219, %get3A_214, %select_n3A_202 : vector<16xi1>, vector<16xi32>
      %mul3A_222 = arith.constant 16 : i32
      %mul3A_223 = arith.muli %scan3A_29, %mul3A_222 : i32
      %add3A_224 = arith.constant 1771 : i32
      %add3A_225 = arith.addi %add3A_224, %mul3A_223 : i32
      %get3A_226 = arith.index_cast %add3A_225 : i32 to index
      %get3A_227 = tpu.vector_load %arg7[%get3A_226] {strides = array<i32>} : memref<5184xf32, #tpu.memory_space<vmem>>, vector<16xf32>,
      %mul3A_228 = arith.constant 16 : i32
      %mul3A_229 = arith.muli %scan3A_29, %mul3A_228 : i32
      %add3A_230 = arith.constant 1771 : i32
      %add3A_231 = arith.addi %add3A_230, %mul3A_229 : i32
      %get3A_232 = arith.index_cast %add3A_231 : i32 to index
      %get3A_233 = tpu.vector_load %arg8[%get3A_232] {strides = array<i32>} : memref<5184xi32, #tpu.memory_space<vmem>>, vector<16xi32>,
      %gt3A_234 = arith.cmpf ogt, %get3A_227, %select_n3A_220 : vector<16xf32>
      %eq3A_235 = arith.cmpf oeq, %get3A_227, %select_n3A_220 : vector<16xf32>
      %lt3A_236 = arith.cmpi slt, %get3A_233, %select_n3A_221 : vector<16xi32>
      %and3A_237 = arith.andi %eq3A_235, %lt3A_236 : vector<16xi1>
      %or3A_238 = arith.ori %gt3A_234, %and3A_237 : vector<16xi1>
      %select_n3A_239 = arith.select %or3A_238, %get3A_227, %select_n3A_220 : vector<16xi1>, vector<16xf32>
      %select_n3A_240 = arith.select %or3A_238, %get3A_233, %select_n3A_221 : vector<16xi1>, vector<16xi32>
      %mul3A_241 = arith.constant 16 : i32
      %mul3A_242 = arith.muli %scan3A_29, %mul3A_241 : i32
      %add3A_243 = arith.constant 1932 : i32
      %add3A_244 = arith.addi %add3A_243, %mul3A_242 : i32
      %get3A_245 = arith.index_cast %add3A_244 : i32 to index
      %get3A_246 = tpu.vector_load %arg7[%get3A_245] {strides = array<i32>} : memref<5184xf32, #tpu.memory_space<vmem>>, vector<16xf32>,
      %mul3A_247 = arith.constant 16 : i32
      %mul3A_248 = arith.muli %scan3A_29, %mul3A_247 : i32
      %add3A_249 = arith.constant 1932 : i32
      %add3A_250 = arith.addi %add3A_249, %mul3A_248 : i32
      %get3A_251 = arith.index_cast %add3A_250 : i32 to index
      %get3A_252 = tpu.vector_load %arg8[%get3A_251] {strides = array<i32>} : memref<5184xi32, #tpu.memory_space<vmem>>, vector<16xi32>,
      %gt3A_253 = arith.cmpf ogt, %get3A_246, %select_n3A_239 : vector<16xf32>
      %eq3A_254 = arith.cmpf oeq, %get3A_246, %select_n3A_239 : vector<16xf32>
      %lt3A_255 = arith.cmpi slt, %get3A_252, %select_n3A_240 : vector<16xi32>
      %and3A_256 = arith.andi %eq3A_254, %lt3A_255 : vector<16xi1>
      %or3A_257 = arith.ori %gt3A_253, %and3A_256 : vector<16xi1>
      %select_n3A_258 = arith.select %or3A_257, %get3A_246, %select_n3A_239 : vector<16xi1>, vector<16xf32>
      %select_n3A_259 = arith.select %or3A_257, %get3A_252, %select_n3A_240 : vector<16xi1>, vector<16xi32>
      %mul3A_260 = arith.constant 16 : i32
      %mul3A_261 = arith.muli %scan3A_29, %mul3A_260 : i32
      %add3A_262 = arith.constant 2093 : i32
      %add3A_263 = arith.addi %add3A_262, %mul3A_261 : i32
      %get3A_264 = arith.index_cast %add3A_263 : i32 to index
      %get3A_265 = tpu.vector_load %arg7[%get3A_264] {strides = array<i32>} : memref<5184xf32, #tpu.memory_space<vmem>>, vector<16xf32>,
      %mul3A_266 = arith.constant 16 : i32
      %mul3A_267 = arith.muli %scan3A_29, %mul3A_266 : i32
      %add3A_268 = arith.constant 2093 : i32
      %add3A_269 = arith.addi %add3A_268, %mul3A_267 : i32
      %get3A_270 = arith.index_cast %add3A_269 : i32 to index
      %get3A_271 = tpu.vector_load %arg8[%get3A_270] {strides = array<i32>} : memref<5184xi32, #tpu.memory_space<vmem>>, vector<16xi32>,
      %gt3A_272 = arith.cmpf ogt, %get3A_265, %select_n3A_258 : vector<16xf32>
      %eq3A_273 = arith.cmpf oeq, %get3A_265, %select_n3A_258 : vector<16xf32>
      %lt3A_274 = arith.cmpi slt, %get3A_271, %select_n3A_259 : vector<16xi32>
      %and3A_275 = arith.andi %eq3A_273, %lt3A_274 : vector<16xi1>
      %or3A_276 = arith.ori %gt3A_272, %and3A_275 : vector<16xi1>
      %select_n3A_277 = arith.select %or3A_276, %get3A_265, %select_n3A_258 : vector<16xi1>, vector<16xf32>
      %select_n3A_278 = arith.select %or3A_276, %get3A_271, %select_n3A_259 : vector<16xi1>, vector<16xi32>
      %mul3A_279 = arith.constant 16 : i32
      %mul3A_280 = arith.muli %scan3A_29, %mul3A_279 : i32
      %add3A_281 = arith.constant 2254 : i32
      %add3A_282 = arith.addi %add3A_281, %mul3A_280 : i32
      %get3A_283 = arith.index_cast %add3A_282 : i32 to index
      %get3A_284 = tpu.vector_load %arg7[%get3A_283] {strides = array<i32>} : memref<5184xf32, #tpu.memory_space<vmem>>, vector<16xf32>,
      %mul3A_285 = arith.constant 16 : i32
      %mul3A_286 = arith.muli %scan3A_29, %mul3A_285 : i32
      %add3A_287 = arith.constant 2254 : i32
      %add3A_288 = arith.addi %add3A_287, %mul3A_286 : i32
      %get3A_289 = arith.index_cast %add3A_288 : i32 to index
      %get3A_290 = tpu.vector_load %arg8[%get3A_289] {strides = array<i32>} : memref<5184xi32, #tpu.memory_space<vmem>>, vector<16xi32>,
      %gt3A_291 = arith.cmpf ogt, %get3A_284, %select_n3A_277 : vector<16xf32>
      %eq3A_292 = arith.cmpf oeq, %get3A_284, %select_n3A_277 : vector<16xf32>
      %lt3A_293 = arith.cmpi slt, %get3A_290, %select_n3A_278 : vector<16xi32>
      %and3A_294 = arith.andi %eq3A_292, %lt3A_293 : vector<16xi1>
      %or3A_295 = arith.ori %gt3A_291, %and3A_294 : vector<16xi1>
      %select_n3A_296 = arith.select %or3A_295, %get3A_284, %select_n3A_277 : vector<16xi1>, vector<16xf32>
      %select_n3A_297 = arith.select %or3A_295, %get3A_290, %select_n3A_278 : vector<16xi1>, vector<16xi32>
      %mul3A_298 = arith.constant 16 : i32
      %mul3A_299 = arith.muli %scan3A_29, %mul3A_298 : i32
      %add3A_300 = arith.constant 2415 : i32
      %add3A_301 = arith.addi %add3A_300, %mul3A_299 : i32
      %get3A_302 = arith.index_cast %add3A_301 : i32 to index
      %get3A_303 = tpu.vector_load %arg7[%get3A_302] {strides = array<i32>} : memref<5184xf32, #tpu.memory_space<vmem>>, vector<16xf32>,
      %mul3A_304 = arith.constant 16 : i32
      %mul3A_305 = arith.muli %scan3A_29, %mul3A_304 : i32
      %add3A_306 = arith.constant 2415 : i32
      %add3A_307 = arith.addi %add3A_306, %mul3A_305 : i32
      %get3A_308 = arith.index_cast %add3A_307 : i32 to index
      %get3A_309 = tpu.vector_load %arg8[%get3A_308] {strides = array<i32>} : memref<5184xi32, #tpu.memory_space<vmem>>, vector<16xi32>,
      %gt3A_310 = arith.cmpf ogt, %get3A_303, %select_n3A_296 : vector<16xf32>
      %eq3A_311 = arith.cmpf oeq, %get3A_303, %select_n3A_296 : vector<16xf32>
      %lt3A_312 = arith.cmpi slt, %get3A_309, %select_n3A_297 : vector<16xi32>
      %and3A_313 = arith.andi %eq3A_311, %lt3A_312 : vector<16xi1>
      %or3A_314 = arith.ori %gt3A_310, %and3A_313 : vector<16xi1>
      %select_n3A_315 = arith.select %or3A_314, %get3A_303, %select_n3A_296 : vector<16xi1>, vector<16xf32>
      %select_n3A_316 = arith.select %or3A_314, %get3A_309, %select_n3A_297 : vector<16xi1>, vector<16xi32>
      %mul3A_317 = arith.constant 16 : i32
      %mul3A_318 = arith.muli %scan3A_29, %mul3A_317 : i32
      %add3A_319 = arith.constant 2576 : i32
      %add3A_320 = arith.addi %add3A_319, %mul3A_318 : i32
      %get3A_321 = arith.index_cast %add3A_320 : i32 to index
      %get3A_322 = tpu.vector_load %arg7[%get3A_321] {strides = array<i32>} : memref<5184xf32, #tpu.memory_space<vmem>>, vector<16xf32>,
      %mul3A_323 = arith.constant 16 : i32
      %mul3A_324 = arith.muli %scan3A_29, %mul3A_323 : i32
      %add3A_325 = arith.constant 2576 : i32
      %add3A_326 = arith.addi %add3A_325, %mul3A_324 : i32
      %get3A_327 = arith.index_cast %add3A_326 : i32 to index
      %get3A_328 = tpu.vector_load %arg8[%get3A_327] {strides = array<i32>} : memref<5184xi32, #tpu.memory_space<vmem>>, vector<16xi32>,
      %gt3A_329 = arith.cmpf ogt, %get3A_322, %select_n3A_315 : vector<16xf32>
      %eq3A_330 = arith.cmpf oeq, %get3A_322, %select_n3A_315 : vector<16xf32>
      %lt3A_331 = arith.cmpi slt, %get3A_328, %select_n3A_316 : vector<16xi32>
      %and3A_332 = arith.andi %eq3A_330, %lt3A_331 : vector<16xi1>
      %or3A_333 = arith.ori %gt3A_329, %and3A_332 : vector<16xi1>
      %select_n3A_334 = arith.select %or3A_333, %get3A_322, %select_n3A_315 : vector<16xi1>, vector<16xf32>
      %select_n3A_335 = arith.select %or3A_333, %get3A_328, %select_n3A_316 : vector<16xi1>, vector<16xi32>
      %mul3A_336 = arith.constant 16 : i32
      %mul3A_337 = arith.muli %scan3A_29, %mul3A_336 : i32
      %add3A_338 = arith.constant 2737 : i32
      %add3A_339 = arith.addi %add3A_338, %mul3A_337 : i32
      %get3A_340 = arith.index_cast %add3A_339 : i32 to index
      %get3A_341 = tpu.vector_load %arg7[%get3A_340] {strides = array<i32>} : memref<5184xf32, #tpu.memory_space<vmem>>, vector<16xf32>,
      %mul3A_342 = arith.constant 16 : i32
      %mul3A_343 = arith.muli %scan3A_29, %mul3A_342 : i32
      %add3A_344 = arith.constant 2737 : i32
      %add3A_345 = arith.addi %add3A_344, %mul3A_343 : i32
      %get3A_346 = arith.index_cast %add3A_345 : i32 to index
      %get3A_347 = tpu.vector_load %arg8[%get3A_346] {strides = array<i32>} : memref<5184xi32, #tpu.memory_space<vmem>>, vector<16xi32>,
      %gt3A_348 = arith.cmpf ogt, %get3A_341, %select_n3A_334 : vector<16xf32>
      %eq3A_349 = arith.cmpf oeq, %get3A_341, %select_n3A_334 : vector<16xf32>
      %lt3A_350 = arith.cmpi slt, %get3A_347, %select_n3A_335 : vector<16xi32>
      %and3A_351 = arith.andi %eq3A_349, %lt3A_350 : vector<16xi1>
      %or3A_352 = arith.ori %gt3A_348, %and3A_351 : vector<16xi1>
      %select_n3A_353 = arith.select %or3A_352, %get3A_341, %select_n3A_334 : vector<16xi1>, vector<16xf32>
      %select_n3A_354 = arith.select %or3A_352, %get3A_347, %select_n3A_335 : vector<16xi1>, vector<16xi32>
      %mul3A_355 = arith.constant 16 : i32
      %mul3A_356 = arith.muli %scan3A_29, %mul3A_355 : i32
      %add3A_357 = arith.constant 2898 : i32
      %add3A_358 = arith.addi %add3A_357, %mul3A_356 : i32
      %get3A_359 = arith.index_cast %add3A_358 : i32 to index
      %get3A_360 = tpu.vector_load %arg7[%get3A_359] {strides = array<i32>} : memref<5184xf32, #tpu.memory_space<vmem>>, vector<16xf32>,
      %mul3A_361 = arith.constant 16 : i32
      %mul3A_362 = arith.muli %scan3A_29, %mul3A_361 : i32
      %add3A_363 = arith.constant 2898 : i32
      %add3A_364 = arith.addi %add3A_363, %mul3A_362 : i32
      %get3A_365 = arith.index_cast %add3A_364 : i32 to index
      %get3A_366 = tpu.vector_load %arg8[%get3A_365] {strides = array<i32>} : memref<5184xi32, #tpu.memory_space<vmem>>, vector<16xi32>,
      %gt3A_367 = arith.cmpf ogt, %get3A_360, %select_n3A_353 : vector<16xf32>
      %eq3A_368 = arith.cmpf oeq, %get3A_360, %select_n3A_353 : vector<16xf32>
      %lt3A_369 = arith.cmpi slt, %get3A_366, %select_n3A_354 : vector<16xi32>
      %and3A_370 = arith.andi %eq3A_368, %lt3A_369 : vector<16xi1>
      %or3A_371 = arith.ori %gt3A_367, %and3A_370 : vector<16xi1>
      %select_n3A_372 = arith.select %or3A_371, %get3A_360, %select_n3A_353 : vector<16xi1>, vector<16xf32>
      %select_n3A_373 = arith.select %or3A_371, %get3A_366, %select_n3A_354 : vector<16xi1>, vector<16xi32>
      %mul3A_374 = arith.constant 16 : i32
      %mul3A_375 = arith.muli %scan3A_29, %mul3A_374 : i32
      %add3A_376 = arith.constant 3059 : i32
      %add3A_377 = arith.addi %add3A_376, %mul3A_375 : i32
      %get3A_378 = arith.index_cast %add3A_377 : i32 to index
      %get3A_379 = tpu.vector_load %arg7[%get3A_378] {strides = array<i32>} : memref<5184xf32, #tpu.memory_space<vmem>>, vector<16xf32>,
      %mul3A_380 = arith.constant 16 : i32
      %mul3A_381 = arith.muli %scan3A_29, %mul3A_380 : i32
      %add3A_382 = arith.constant 3059 : i32
      %add3A_383 = arith.addi %add3A_382, %mul3A_381 : i32
      %get3A_384 = arith.index_cast %add3A_383 : i32 to index
      %get3A_385 = tpu.vector_load %arg8[%get3A_384] {strides = array<i32>} : memref<5184xi32, #tpu.memory_space<vmem>>, vector<16xi32>,
      %gt3A_386 = arith.cmpf ogt, %get3A_379, %select_n3A_372 : vector<16xf32>
      %eq3A_387 = arith.cmpf oeq, %get3A_379, %select_n3A_372 : vector<16xf32>
      %lt3A_388 = arith.cmpi slt, %get3A_385, %select_n3A_373 : vector<16xi32>
      %and3A_389 = arith.andi %eq3A_387, %lt3A_388 : vector<16xi1>
      %or3A_390 = arith.ori %gt3A_386, %and3A_389 : vector<16xi1>
      %select_n3A_391 = arith.select %or3A_390, %get3A_379, %select_n3A_372 : vector<16xi1>, vector<16xf32>
      %select_n3A_392 = arith.select %or3A_390, %get3A_385, %select_n3A_373 : vector<16xi1>, vector<16xi32>
      %mul3A_393 = arith.constant 16 : i32
      %mul3A_394 = arith.muli %scan3A_29, %mul3A_393 : i32
      %add3A_395 = arith.constant 3220 : i32
      %add3A_396 = arith.addi %add3A_395, %mul3A_394 : i32
      %get3A_397 = arith.index_cast %add3A_396 : i32 to index
      %get3A_398 = tpu.vector_load %arg7[%get3A_397] {strides = array<i32>} : memref<5184xf32, #tpu.memory_space<vmem>>, vector<16xf32>,
      %mul3A_399 = arith.constant 16 : i32
      %mul3A_400 = arith.muli %scan3A_29, %mul3A_399 : i32
      %add3A_401 = arith.constant 3220 : i32
      %add3A_402 = arith.addi %add3A_401, %mul3A_400 : i32
      %get3A_403 = arith.index_cast %add3A_402 : i32 to index
      %get3A_404 = tpu.vector_load %arg8[%get3A_403] {strides = array<i32>} : memref<5184xi32, #tpu.memory_space<vmem>>, vector<16xi32>,
      %gt3A_405 = arith.cmpf ogt, %get3A_398, %select_n3A_391 : vector<16xf32>
      %eq3A_406 = arith.cmpf oeq, %get3A_398, %select_n3A_391 : vector<16xf32>
      %lt3A_407 = arith.cmpi slt, %get3A_404, %select_n3A_392 : vector<16xi32>
      %and3A_408 = arith.andi %eq3A_406, %lt3A_407 : vector<16xi1>
      %or3A_409 = arith.ori %gt3A_405, %and3A_408 : vector<16xi1>
      %select_n3A_410 = arith.select %or3A_409, %get3A_398, %select_n3A_391 : vector<16xi1>, vector<16xf32>
      %select_n3A_411 = arith.select %or3A_409, %get3A_404, %select_n3A_392 : vector<16xi1>, vector<16xi32>
      %mul3A_412 = arith.constant 16 : i32
      %mul3A_413 = arith.muli %scan3A_29, %mul3A_412 : i32
      %add3A_414 = arith.constant 3381 : i32
      %add3A_415 = arith.addi %add3A_414, %mul3A_413 : i32
      %get3A_416 = arith.index_cast %add3A_415 : i32 to index
      %get3A_417 = tpu.vector_load %arg7[%get3A_416] {strides = array<i32>} : memref<5184xf32, #tpu.memory_space<vmem>>, vector<16xf32>,
      %mul3A_418 = arith.constant 16 : i32
      %mul3A_419 = arith.muli %scan3A_29, %mul3A_418 : i32
      %add3A_420 = arith.constant 3381 : i32
      %add3A_421 = arith.addi %add3A_420, %mul3A_419 : i32
      %get3A_422 = arith.index_cast %add3A_421 : i32 to index
      %get3A_423 = tpu.vector_load %arg8[%get3A_422] {strides = array<i32>} : memref<5184xi32, #tpu.memory_space<vmem>>, vector<16xi32>,
      %gt3A_424 = arith.cmpf ogt, %get3A_417, %select_n3A_410 : vector<16xf32>
      %eq3A_425 = arith.cmpf oeq, %get3A_417, %select_n3A_410 : vector<16xf32>
      %lt3A_426 = arith.cmpi slt, %get3A_423, %select_n3A_411 : vector<16xi32>
      %and3A_427 = arith.andi %eq3A_425, %lt3A_426 : vector<16xi1>
      %or3A_428 = arith.ori %gt3A_424, %and3A_427 : vector<16xi1>
      %select_n3A_429 = arith.select %or3A_428, %get3A_417, %select_n3A_410 : vector<16xi1>, vector<16xf32>
      %select_n3A_430 = arith.select %or3A_428, %get3A_423, %select_n3A_411 : vector<16xi1>, vector<16xi32>
      %mul3A_431 = arith.constant 16 : i32
      %mul3A_432 = arith.muli %scan3A_29, %mul3A_431 : i32
      %add3A_433 = arith.constant 3542 : i32
      %add3A_434 = arith.addi %add3A_433, %mul3A_432 : i32
      %get3A_435 = arith.index_cast %add3A_434 : i32 to index
      %get3A_436 = tpu.vector_load %arg7[%get3A_435] {strides = array<i32>} : memref<5184xf32, #tpu.memory_space<vmem>>, vector<16xf32>,
      %mul3A_437 = arith.constant 16 : i32
      %mul3A_438 = arith.muli %scan3A_29, %mul3A_437 : i32
      %add3A_439 = arith.constant 3542 : i32
      %add3A_440 = arith.addi %add3A_439, %mul3A_438 : i32
      %get3A_441 = arith.index_cast %add3A_440 : i32 to index
      %get3A_442 = tpu.vector_load %arg8[%get3A_441] {strides = array<i32>} : memref<5184xi32, #tpu.memory_space<vmem>>, vector<16xi32>,
      %gt3A_443 = arith.cmpf ogt, %get3A_436, %select_n3A_429 : vector<16xf32>
      %eq3A_444 = arith.cmpf oeq, %get3A_436, %select_n3A_429 : vector<16xf32>
      %lt3A_445 = arith.cmpi slt, %get3A_442, %select_n3A_430 : vector<16xi32>
      %and3A_446 = arith.andi %eq3A_444, %lt3A_445 : vector<16xi1>
      %or3A_447 = arith.ori %gt3A_443, %and3A_446 : vector<16xi1>
      %select_n3A_448 = arith.select %or3A_447, %get3A_436, %select_n3A_429 : vector<16xi1>, vector<16xf32>
      %select_n3A_449 = arith.select %or3A_447, %get3A_442, %select_n3A_430 : vector<16xi1>, vector<16xi32>
      %mul3A_450 = arith.constant 16 : i32
      %mul3A_451 = arith.muli %scan3A_29, %mul3A_450 : i32
      %add3A_452 = arith.constant 3703 : i32
      %add3A_453 = arith.addi %add3A_452, %mul3A_451 : i32
      %get3A_454 = arith.index_cast %add3A_453 : i32 to index
      %get3A_455 = tpu.vector_load %arg7[%get3A_454] {strides = array<i32>} : memref<5184xf32, #tpu.memory_space<vmem>>, vector<16xf32>,
      %mul3A_456 = arith.constant 16 : i32
      %mul3A_457 = arith.muli %scan3A_29, %mul3A_456 : i32
      %add3A_458 = arith.constant 3703 : i32
      %add3A_459 = arith.addi %add3A_458, %mul3A_457 : i32
      %get3A_460 = arith.index_cast %add3A_459 : i32 to index
      %get3A_461 = tpu.vector_load %arg8[%get3A_460] {strides = array<i32>} : memref<5184xi32, #tpu.memory_space<vmem>>, vector<16xi32>,
      %gt3A_462 = arith.cmpf ogt, %get3A_455, %select_n3A_448 : vector<16xf32>
      %eq3A_463 = arith.cmpf oeq, %get3A_455, %select_n3A_448 : vector<16xf32>
      %lt3A_464 = arith.cmpi slt, %get3A_461, %select_n3A_449 : vector<16xi32>
      %and3A_465 = arith.andi %eq3A_463, %lt3A_464 : vector<16xi1>
      %or3A_466 = arith.ori %gt3A_462, %and3A_465 : vector<16xi1>
      %select_n3A_467 = arith.select %or3A_466, %get3A_455, %select_n3A_448 : vector<16xi1>, vector<16xf32>
      %select_n3A_468 = arith.select %or3A_466, %get3A_461, %select_n3A_449 : vector<16xi1>, vector<16xi32>
      %mul3A_469 = arith.constant 16 : i32
      %mul3A_470 = arith.muli %scan3A_29, %mul3A_469 : i32
      %add3A_471 = arith.constant 3864 : i32
      %add3A_472 = arith.addi %add3A_471, %mul3A_470 : i32
      %get3A_473 = arith.index_cast %add3A_472 : i32 to index
      %get3A_474 = tpu.vector_load %arg7[%get3A_473] {strides = array<i32>} : memref<5184xf32, #tpu.memory_space<vmem>>, vector<16xf32>,
      %mul3A_475 = arith.constant 16 : i32
      %mul3A_476 = arith.muli %scan3A_29, %mul3A_475 : i32
      %add3A_477 = arith.constant 3864 : i32
      %add3A_478 = arith.addi %add3A_477, %mul3A_476 : i32
      %get3A_479 = arith.index_cast %add3A_478 : i32 to index
      %get3A_480 = tpu.vector_load %arg8[%get3A_479] {strides = array<i32>} : memref<5184xi32, #tpu.memory_space<vmem>>, vector<16xi32>,
      %gt3A_481 = arith.cmpf ogt, %get3A_474, %select_n3A_467 : vector<16xf32>
      %eq3A_482 = arith.cmpf oeq, %get3A_474, %select_n3A_467 : vector<16xf32>
      %lt3A_483 = arith.cmpi slt, %get3A_480, %select_n3A_468 : vector<16xi32>
      %and3A_484 = arith.andi %eq3A_482, %lt3A_483 : vector<16xi1>
      %or3A_485 = arith.ori %gt3A_481, %and3A_484 : vector<16xi1>
      %select_n3A_486 = arith.select %or3A_485, %get3A_474, %select_n3A_467 : vector<16xi1>, vector<16xf32>
      %select_n3A_487 = arith.select %or3A_485, %get3A_480, %select_n3A_468 : vector<16xi1>, vector<16xi32>
      %mul3A_488 = arith.constant 16 : i32
      %mul3A_489 = arith.muli %scan3A_29, %mul3A_488 : i32
      %add3A_490 = arith.constant 4025 : i32
      %add3A_491 = arith.addi %add3A_490, %mul3A_489 : i32
      %get3A_492 = arith.index_cast %add3A_491 : i32 to index
      %get3A_493 = tpu.vector_load %arg7[%get3A_492] {strides = array<i32>} : memref<5184xf32, #tpu.memory_space<vmem>>, vector<16xf32>,
      %mul3A_494 = arith.constant 16 : i32
      %mul3A_495 = arith.muli %scan3A_29, %mul3A_494 : i32
      %add3A_496 = arith.constant 4025 : i32
      %add3A_497 = arith.addi %add3A_496, %mul3A_495 : i32
      %get3A_498 = arith.index_cast %add3A_497 : i32 to index
      %get3A_499 = tpu.vector_load %arg8[%get3A_498] {strides = array<i32>} : memref<5184xi32, #tpu.memory_space<vmem>>, vector<16xi32>,
      %gt3A_500 = arith.cmpf ogt, %get3A_493, %select_n3A_486 : vector<16xf32>
      %eq3A_501 = arith.cmpf oeq, %get3A_493, %select_n3A_486 : vector<16xf32>
      %lt3A_502 = arith.cmpi slt, %get3A_499, %select_n3A_487 : vector<16xi32>
      %and3A_503 = arith.andi %eq3A_501, %lt3A_502 : vector<16xi1>
      %or3A_504 = arith.ori %gt3A_500, %and3A_503 : vector<16xi1>
      %select_n3A_505 = arith.select %or3A_504, %get3A_493, %select_n3A_486 : vector<16xi1>, vector<16xf32>
      %select_n3A_506 = arith.select %or3A_504, %get3A_499, %select_n3A_487 : vector<16xi1>, vector<16xi32>
      %mul3A_507 = arith.constant 16 : i32
      %mul3A_508 = arith.muli %scan3A_29, %mul3A_507 : i32
      %add3A_509 = arith.constant 4186 : i32
      %add3A_510 = arith.addi %add3A_509, %mul3A_508 : i32
      %get3A_511 = arith.index_cast %add3A_510 : i32 to index
      %get3A_512 = tpu.vector_load %arg7[%get3A_511] {strides = array<i32>} : memref<5184xf32, #tpu.memory_space<vmem>>, vector<16xf32>,
      %mul3A_513 = arith.constant 16 : i32
      %mul3A_514 = arith.muli %scan3A_29, %mul3A_513 : i32
      %add3A_515 = arith.constant 4186 : i32
      %add3A_516 = arith.addi %add3A_515, %mul3A_514 : i32
      %get3A_517 = arith.index_cast %add3A_516 : i32 to index
      %get3A_518 = tpu.vector_load %arg8[%get3A_517] {strides = array<i32>} : memref<5184xi32, #tpu.memory_space<vmem>>, vector<16xi32>,
      %gt3A_519 = arith.cmpf ogt, %get3A_512, %select_n3A_505 : vector<16xf32>
      %eq3A_520 = arith.cmpf oeq, %get3A_512, %select_n3A_505 : vector<16xf32>
      %lt3A_521 = arith.cmpi slt, %get3A_518, %select_n3A_506 : vector<16xi32>
      %and3A_522 = arith.andi %eq3A_520, %lt3A_521 : vector<16xi1>
      %or3A_523 = arith.ori %gt3A_519, %and3A_522 : vector<16xi1>
      %select_n3A_524 = arith.select %or3A_523, %get3A_512, %select_n3A_505 : vector<16xi1>, vector<16xf32>
      %select_n3A_525 = arith.select %or3A_523, %get3A_518, %select_n3A_506 : vector<16xi1>, vector<16xi32>
      %mul3A_526 = arith.constant 16 : i32
      %mul3A_527 = arith.muli %scan3A_29, %mul3A_526 : i32
      %add3A_528 = arith.constant 4347 : i32
      %add3A_529 = arith.addi %add3A_528, %mul3A_527 : i32
      %get3A_530 = arith.index_cast %add3A_529 : i32 to index
      %get3A_531 = tpu.vector_load %arg7[%get3A_530] {strides = array<i32>} : memref<5184xf32, #tpu.memory_space<vmem>>, vector<16xf32>,
      %mul3A_532 = arith.constant 16 : i32
      %mul3A_533 = arith.muli %scan3A_29, %mul3A_532 : i32
      %add3A_534 = arith.constant 4347 : i32
      %add3A_535 = arith.addi %add3A_534, %mul3A_533 : i32
      %get3A_536 = arith.index_cast %add3A_535 : i32 to index
      %get3A_537 = tpu.vector_load %arg8[%get3A_536] {strides = array<i32>} : memref<5184xi32, #tpu.memory_space<vmem>>, vector<16xi32>,
      %gt3A_538 = arith.cmpf ogt, %get3A_531, %select_n3A_524 : vector<16xf32>
      %eq3A_539 = arith.cmpf oeq, %get3A_531, %select_n3A_524 : vector<16xf32>
      %lt3A_540 = arith.cmpi slt, %get3A_537, %select_n3A_525 : vector<16xi32>
      %and3A_541 = arith.andi %eq3A_539, %lt3A_540 : vector<16xi1>
      %or3A_542 = arith.ori %gt3A_538, %and3A_541 : vector<16xi1>
      %select_n3A_543 = arith.select %or3A_542, %get3A_531, %select_n3A_524 : vector<16xi1>, vector<16xf32>
      %select_n3A_544 = arith.select %or3A_542, %get3A_537, %select_n3A_525 : vector<16xi1>, vector<16xi32>
      %mul3A_545 = arith.constant 16 : i32
      %mul3A_546 = arith.muli %scan3A_29, %mul3A_545 : i32
      %add3A_547 = arith.constant 4508 : i32
      %add3A_548 = arith.addi %add3A_547, %mul3A_546 : i32
      %get3A_549 = arith.index_cast %add3A_548 : i32 to index
      %get3A_550 = tpu.vector_load %arg7[%get3A_549] {strides = array<i32>} : memref<5184xf32, #tpu.memory_space<vmem>>, vector<16xf32>,
      %mul3A_551 = arith.constant 16 : i32
      %mul3A_552 = arith.muli %scan3A_29, %mul3A_551 : i32
      %add3A_553 = arith.constant 4508 : i32
      %add3A_554 = arith.addi %add3A_553, %mul3A_552 : i32
      %get3A_555 = arith.index_cast %add3A_554 : i32 to index
      %get3A_556 = tpu.vector_load %arg8[%get3A_555] {strides = array<i32>} : memref<5184xi32, #tpu.memory_space<vmem>>, vector<16xi32>,
      %gt3A_557 = arith.cmpf ogt, %get3A_550, %select_n3A_543 : vector<16xf32>
      %eq3A_558 = arith.cmpf oeq, %get3A_550, %select_n3A_543 : vector<16xf32>
      %lt3A_559 = arith.cmpi slt, %get3A_556, %select_n3A_544 : vector<16xi32>
      %and3A_560 = arith.andi %eq3A_558, %lt3A_559 : vector<16xi1>
      %or3A_561 = arith.ori %gt3A_557, %and3A_560 : vector<16xi1>
      %select_n3A_562 = arith.select %or3A_561, %get3A_550, %select_n3A_543 : vector<16xi1>, vector<16xf32>
      %select_n3A_563 = arith.select %or3A_561, %get3A_556, %select_n3A_544 : vector<16xi1>, vector<16xi32>
      %mul3A_564 = arith.constant 16 : i32
      %mul3A_565 = arith.muli %scan3A_29, %mul3A_564 : i32
      %add3A_566 = arith.constant 4669 : i32
      %add3A_567 = arith.addi %add3A_566, %mul3A_565 : i32
      %get3A_568 = arith.index_cast %add3A_567 : i32 to index
      %get3A_569 = tpu.vector_load %arg7[%get3A_568] {strides = array<i32>} : memref<5184xf32, #tpu.memory_space<vmem>>, vector<16xf32>,
      %mul3A_570 = arith.constant 16 : i32
      %mul3A_571 = arith.muli %scan3A_29, %mul3A_570 : i32
      %add3A_572 = arith.constant 4669 : i32
      %add3A_573 = arith.addi %add3A_572, %mul3A_571 : i32
      %get3A_574 = arith.index_cast %add3A_573 : i32 to index
      %get3A_575 = tpu.vector_load %arg8[%get3A_574] {strides = array<i32>} : memref<5184xi32, #tpu.memory_space<vmem>>, vector<16xi32>,
      %gt3A_576 = arith.cmpf ogt, %get3A_569, %select_n3A_562 : vector<16xf32>
      %eq3A_577 = arith.cmpf oeq, %get3A_569, %select_n3A_562 : vector<16xf32>
      %lt3A_578 = arith.cmpi slt, %get3A_575, %select_n3A_563 : vector<16xi32>
      %and3A_579 = arith.andi %eq3A_577, %lt3A_578 : vector<16xi1>
      %or3A_580 = arith.ori %gt3A_576, %and3A_579 : vector<16xi1>
      %select_n3A_581 = arith.select %or3A_580, %get3A_569, %select_n3A_562 : vector<16xi1>, vector<16xf32>
      %select_n3A_582 = arith.select %or3A_580, %get3A_575, %select_n3A_563 : vector<16xi1>, vector<16xi32>
      %mul3A_583 = arith.constant 16 : i32
      %mul3A_584 = arith.muli %scan3A_29, %mul3A_583 : i32
      %add3A_585 = arith.constant 4830 : i32
      %add3A_586 = arith.addi %add3A_585, %mul3A_584 : i32
      %get3A_587 = arith.index_cast %add3A_586 : i32 to index
      %get3A_588 = tpu.vector_load %arg7[%get3A_587] {strides = array<i32>} : memref<5184xf32, #tpu.memory_space<vmem>>, vector<16xf32>,
      %mul3A_589 = arith.constant 16 : i32
      %mul3A_590 = arith.muli %scan3A_29, %mul3A_589 : i32
      %add3A_591 = arith.constant 4830 : i32
      %add3A_592 = arith.addi %add3A_591, %mul3A_590 : i32
      %get3A_593 = arith.index_cast %add3A_592 : i32 to index
      %get3A_594 = tpu.vector_load %arg8[%get3A_593] {strides = array<i32>} : memref<5184xi32, #tpu.memory_space<vmem>>, vector<16xi32>,
      %gt3A_595 = arith.cmpf ogt, %get3A_588, %select_n3A_581 : vector<16xf32>
      %eq3A_596 = arith.cmpf oeq, %get3A_588, %select_n3A_581 : vector<16xf32>
      %lt3A_597 = arith.cmpi slt, %get3A_594, %select_n3A_582 : vector<16xi32>
      %and3A_598 = arith.andi %eq3A_596, %lt3A_597 : vector<16xi1>
      %or3A_599 = arith.ori %gt3A_595, %and3A_598 : vector<16xi1>
      %select_n3A_600 = arith.select %or3A_599, %get3A_588, %select_n3A_581 : vector<16xi1>, vector<16xf32>
      %select_n3A_601 = arith.select %or3A_599, %get3A_594, %select_n3A_582 : vector<16xi1>, vector<16xi32>
      %mul3A_602 = arith.constant 16 : i32
      %mul3A_603 = arith.muli %scan3A_29, %mul3A_602 : i32
      %add3A_604 = arith.constant 4991 : i32
      %add3A_605 = arith.addi %add3A_604, %mul3A_603 : i32
      %get3A_606 = arith.index_cast %add3A_605 : i32 to index
      %get3A_607 = tpu.vector_load %arg7[%get3A_606] {strides = array<i32>} : memref<5184xf32, #tpu.memory_space<vmem>>, vector<16xf32>,
      %mul3A_608 = arith.constant 16 : i32
      %mul3A_609 = arith.muli %scan3A_29, %mul3A_608 : i32
      %add3A_610 = arith.constant 4991 : i32
      %add3A_611 = arith.addi %add3A_610, %mul3A_609 : i32
      %get3A_612 = arith.index_cast %add3A_611 : i32 to index
      %get3A_613 = tpu.vector_load %arg8[%get3A_612] {strides = array<i32>} : memref<5184xi32, #tpu.memory_space<vmem>>, vector<16xi32>,
      %gt3A_614 = arith.cmpf ogt, %get3A_607, %select_n3A_600 : vector<16xf32>
      %eq3A_615 = arith.cmpf oeq, %get3A_607, %select_n3A_600 : vector<16xf32>
      %lt3A_616 = arith.cmpi slt, %get3A_613, %select_n3A_601 : vector<16xi32>
      %and3A_617 = arith.andi %eq3A_615, %lt3A_616 : vector<16xi1>
      %or3A_618 = arith.ori %gt3A_614, %and3A_617 : vector<16xi1>
      %select_n3A_619 = arith.select %or3A_618, %get3A_607, %select_n3A_600 : vector<16xi1>, vector<16xf32>
      %select_n3A_620 = arith.select %or3A_618, %get3A_613, %select_n3A_601 : vector<16xi1>, vector<16xi32>
      %mul3A_621 = arith.constant 16 : i32
      %mul3A_622 = arith.muli %scan3A_29, %mul3A_621 : i32
      %swap3A = arith.index_cast %mul3A_622 : i32 to index
      %swap3A_623 = tpu.vector_load %arg9[%swap3A] {strides = array<i32>} : memref<160xi32, #tpu.memory_space<vmem>>, vector<16xi32>,
      tpu.vector_store %arg9[%swap3A], %select_n3A_620 {strides = array<i32>} : memref<160xi32, #tpu.memory_space<vmem>>, vector<16xi32>,
      %scan3A_624 = arith.constant 0 : i32
      scf.yield %scan3A_624 : i32
    }
    %scan3A_28 = arith.constant 10 : i32
    "tpu.region"() ({
      %run_scoped3A = tpu.sem_alloc : memref<!tpu.dma_semaphore, #tpu.memory_space<semaphore_mem>>
      %dma_start3A = tpu.memref_slice %arg4[%mul3A_2] : memref<5120xi32, #tpu.memory_space<hbm>> -> memref<160xi32, #tpu.memory_space<hbm>>
      %dma_start3A_29 = tpu.memref_slice %arg4[%mul3A_2] : memref<5120xi32, #tpu.memory_space<hbm>> -> memref<160xi32, #tpu.memory_space<hbm>>
      tpu.enqueue_dma source(%arg9 : memref<160xi32, #tpu.memory_space<vmem>>) target(%dma_start3A_29 : memref<160xi32, #tpu.memory_space<hbm>>) target_semaphore(%run_scoped3A : memref<!tpu.dma_semaphore, #tpu.memory_space<semaphore_mem>>)
      %dma_wait3A = tpu.memref_slice %arg4[%mul3A_2] : memref<5120xi32, #tpu.memory_space<hbm>> -> memref<160xi32, #tpu.memory_space<hbm>>
      %dma_wait3A_30 = tpu.memref_slice %arg4[%mul3A_2] : memref<5120xi32, #tpu.memory_space<hbm>> -> memref<160xi32, #tpu.memory_space<hbm>>
      tpu.wait_dma2 semaphore(%run_scoped3A : memref<!tpu.dma_semaphore, #tpu.memory_space<semaphore_mem>>) src(%arg9 : memref<160xi32, #tpu.memory_space<vmem>>) dst(%dma_wait3A_30 : memref<160xi32, #tpu.memory_space<hbm>>)
      tpu.yield
    }) : () -> ()
    return
  }
}

#map = affine_map<(d0, d1) -> (0)>
module attributes {stable_mosaic.version = 14 : i64} {
  func.func @_match_b_body(%arg0: i32, %arg1: i32, %arg2: memref<5120xf32, #tpu.memory_space<hbm>>, %arg3: memref<5120xi32, #tpu.memory_space<hbm>>, %arg4: memref<5120xi32, #tpu.memory_space<hbm>>, %arg5: memref<5120xi32, #tpu.memory_space<hbm>>, %arg6: memref<160xf32, #tpu.memory_space<vmem>>, %arg7: memref<160xi32, #tpu.memory_space<vmem>>, %arg8: memref<5120xi32, #tpu.memory_space<vmem>>, %arg9: memref<160xi32, #tpu.memory_space<vmem>>) attributes {dimension_semantics = [#tpu.dimension_semantics<core_parallel>, #tpu.dimension_semantics<subcore_parallel>], iteration_bounds = array<i64: 2, 16>, scalar_prefetch = 0 : i64, scratch_operands = 4 : i64, tpu.core_type = #tpu.core_type<sc_vector_subcore>, window_params = [{transform_indices = #map}, {transform_indices = #map}, {transform_indices = #map}, {transform_indices = #map}]} {
    %mul3A = arith.constant 2 : i32
    %mul3A_0 = arith.muli %arg1, %mul3A : i32
    %add3A = arith.addi %mul3A_0, %arg0 : i32
    %mul3A_1 = arith.constant 160 : i32
    %mul3A_2 = arith.muli %add3A, %mul3A_1 : i32
    "tpu.region"() ({
      %run_scoped3A = tpu.sem_alloc : memref<!tpu.dma_semaphore, #tpu.memory_space<semaphore_mem>>
      tpu.enqueue_dma source(%arg4 : memref<5120xi32, #tpu.memory_space<hbm>>) target(%arg8 : memref<5120xi32, #tpu.memory_space<vmem>>) target_semaphore(%run_scoped3A : memref<!tpu.dma_semaphore, #tpu.memory_space<semaphore_mem>>)
      tpu.wait_dma2 semaphore(%run_scoped3A : memref<!tpu.dma_semaphore, #tpu.memory_space<semaphore_mem>>) src(%arg4 : memref<5120xi32, #tpu.memory_space<hbm>>) dst(%arg8 : memref<5120xi32, #tpu.memory_space<vmem>>)
      tpu.yield
    }) : () -> ()
    "tpu.region"() ({
      %run_scoped3A = tpu.sem_alloc : memref<!tpu.dma_semaphore, #tpu.memory_space<semaphore_mem>>
      %dma_start3A = tpu.memref_slice %arg2[%mul3A_2] : memref<5120xf32, #tpu.memory_space<hbm>> -> memref<160xf32, #tpu.memory_space<hbm>>
      %dma_start3A_10 = tpu.memref_slice %arg2[%mul3A_2] : memref<5120xf32, #tpu.memory_space<hbm>> -> memref<160xf32, #tpu.memory_space<hbm>>
      tpu.enqueue_dma source(%dma_start3A_10 : memref<160xf32, #tpu.memory_space<hbm>>) target(%arg6 : memref<160xf32, #tpu.memory_space<vmem>>) target_semaphore(%run_scoped3A : memref<!tpu.dma_semaphore, #tpu.memory_space<semaphore_mem>>)
      %dma_wait3A = tpu.memref_slice %arg2[%mul3A_2] : memref<5120xf32, #tpu.memory_space<hbm>> -> memref<160xf32, #tpu.memory_space<hbm>>
      %dma_wait3A_11 = tpu.memref_slice %arg2[%mul3A_2] : memref<5120xf32, #tpu.memory_space<hbm>> -> memref<160xf32, #tpu.memory_space<hbm>>
      tpu.wait_dma2 semaphore(%run_scoped3A : memref<!tpu.dma_semaphore, #tpu.memory_space<semaphore_mem>>) src(%dma_wait3A_11 : memref<160xf32, #tpu.memory_space<hbm>>) dst(%arg6 : memref<160xf32, #tpu.memory_space<vmem>>)
      tpu.yield
    }) : () -> ()
    "tpu.region"() ({
      %run_scoped3A = tpu.sem_alloc : memref<!tpu.dma_semaphore, #tpu.memory_space<semaphore_mem>>
      %dma_start3A = tpu.memref_slice %arg3[%mul3A_2] : memref<5120xi32, #tpu.memory_space<hbm>> -> memref<160xi32, #tpu.memory_space<hbm>>
      %dma_start3A_10 = tpu.memref_slice %arg3[%mul3A_2] : memref<5120xi32, #tpu.memory_space<hbm>> -> memref<160xi32, #tpu.memory_space<hbm>>
      tpu.enqueue_dma source(%dma_start3A_10 : memref<160xi32, #tpu.memory_space<hbm>>) target(%arg7 : memref<160xi32, #tpu.memory_space<vmem>>) target_semaphore(%run_scoped3A : memref<!tpu.dma_semaphore, #tpu.memory_space<semaphore_mem>>)
      %dma_wait3A = tpu.memref_slice %arg3[%mul3A_2] : memref<5120xi32, #tpu.memory_space<hbm>> -> memref<160xi32, #tpu.memory_space<hbm>>
      %dma_wait3A_11 = tpu.memref_slice %arg3[%mul3A_2] : memref<5120xi32, #tpu.memory_space<hbm>> -> memref<160xi32, #tpu.memory_space<hbm>>
      tpu.wait_dma2 semaphore(%run_scoped3A : memref<!tpu.dma_semaphore, #tpu.memory_space<semaphore_mem>>) src(%dma_wait3A_11 : memref<160xi32, #tpu.memory_space<hbm>>) dst(%arg7 : memref<160xi32, #tpu.memory_space<vmem>>)
      tpu.yield
    }) : () -> ()
    %iota3A = tpu.iota {dimensions = array<i32: 0>} : vector<16xi32>
    %broadcast_in_dim3A = arith.constant -1 : i32
    %broadcast_in_dim3A_3 = vector.broadcast %broadcast_in_dim3A : i32 to vector<16xi32>
    %scan3A = arith.constant 0 : i32
    %scan3A_4 = arith.constant 0 : i32
    %scan3A_5 = arith.constant 10 : i32
    %scan3A_6 = arith.addi %scan3A_4, %scan3A_5 : i32
    %scan3A_7 = arith.constant 1 : i32
    %scan3A_8 = scf.for %scan3A_10 = %scan3A_4 to %scan3A_6 step %scan3A_7 iter_args(%scan3A_11 = %scan3A) -> (i32)  : i32 {
      %mul3A_12 = arith.constant 16 : i32
      %mul3A_13 = arith.muli %scan3A_10, %mul3A_12 : i32
      %get3A = arith.index_cast %mul3A_13 : i32 to index
      %get3A_14 = tpu.vector_load %arg6[%get3A] {strides = array<i32>} : memref<160xf32, #tpu.memory_space<vmem>>, vector<16xf32>,
      %mul3A_15 = arith.constant 16 : i32
      %mul3A_16 = arith.muli %scan3A_10, %mul3A_15 : i32
      %get3A_17 = arith.index_cast %mul3A_16 : i32 to index
      %get3A_18 = tpu.vector_load %arg7[%get3A_17] {strides = array<i32>} : memref<160xi32, #tpu.memory_space<vmem>>, vector<16xi32>,
      %mul3A_19 = arith.constant 16 : i32
      %mul3A_20 = arith.muli %scan3A_10, %mul3A_19 : i32
      %add3A_21 = arith.addi %mul3A_2, %mul3A_20 : i32
      %add3A_22 = vector.broadcast %add3A_21 : i32 to vector<16xi32>
      %add3A_23 = arith.addi %add3A_22, %iota3A : vector<16xi32>
      %gather3A = tpu.vector_load_idx %arg8[%get3A_18] : memref<5120xi32, #tpu.memory_space<vmem>>[vector<16xi32>], vector<16xi32>,
      %gt3A = arith.constant 3.000000e-01 : f32
      %gt3A_24 = vector.broadcast %gt3A : f32 to vector<16xf32>
      %gt3A_25 = arith.cmpf ogt, %get3A_14, %gt3A_24 : vector<16xf32>
      %eq3A = arith.cmpi eq, %gather3A, %add3A_23 : vector<16xi32>
      %and3A = arith.andi %gt3A_25, %eq3A : vector<16xi1>
      %select_n3A = arith.select %and3A, %get3A_18, %broadcast_in_dim3A_3 : vector<16xi1>, vector<16xi32>
      %mul3A_26 = arith.constant 16 : i32
      %mul3A_27 = arith.muli %scan3A_10, %mul3A_26 : i32
      %swap3A = arith.index_cast %mul3A_27 : i32 to index
      %swap3A_28 = tpu.vector_load %arg9[%swap3A] {strides = array<i32>} : memref<160xi32, #tpu.memory_space<vmem>>, vector<16xi32>,
      tpu.vector_store %arg9[%swap3A], %select_n3A {strides = array<i32>} : memref<160xi32, #tpu.memory_space<vmem>>, vector<16xi32>,
      %scan3A_29 = arith.constant 0 : i32
      scf.yield %scan3A_29 : i32
    }
    %scan3A_9 = arith.constant 10 : i32
    "tpu.region"() ({
      %run_scoped3A = tpu.sem_alloc : memref<!tpu.dma_semaphore, #tpu.memory_space<semaphore_mem>>
      %dma_start3A = tpu.memref_slice %arg5[%mul3A_2] : memref<5120xi32, #tpu.memory_space<hbm>> -> memref<160xi32, #tpu.memory_space<hbm>>
      %dma_start3A_10 = tpu.memref_slice %arg5[%mul3A_2] : memref<5120xi32, #tpu.memory_space<hbm>> -> memref<160xi32, #tpu.memory_space<hbm>>
      tpu.enqueue_dma source(%arg9 : memref<160xi32, #tpu.memory_space<vmem>>) target(%dma_start3A_10 : memref<160xi32, #tpu.memory_space<hbm>>) target_semaphore(%run_scoped3A : memref<!tpu.dma_semaphore, #tpu.memory_space<semaphore_mem>>)
      %dma_wait3A = tpu.memref_slice %arg5[%mul3A_2] : memref<5120xi32, #tpu.memory_space<hbm>> -> memref<160xi32, #tpu.memory_space<hbm>>
      %dma_wait3A_11 = tpu.memref_slice %arg5[%mul3A_2] : memref<5120xi32, #tpu.memory_space<hbm>> -> memref<160xi32, #tpu.memory_space<hbm>>
      tpu.wait_dma2 semaphore(%run_scoped3A : memref<!tpu.dma_semaphore, #tpu.memory_space<semaphore_mem>>) src(%arg9 : memref<160xi32, #tpu.memory_space<vmem>>) dst(%dma_wait3A_11 : memref<160xi32, #tpu.memory_space<hbm>>)
      tpu.yield
    }) : () -> ()
    return
  }
}

module attributes {stable_mosaic.version = 14 : i64} {
  func.func @_phase_body(%arg0: i32, %arg1: memref<2560x4xf32, #tpu.memory_space<vmem>>, %arg2: memref<2560x4xf32, #tpu.memory_space<vmem>>, %arg3: memref<4x64xf32, #tpu.memory_space<vmem>>, %arg4: memref<64x1xf32, #tpu.memory_space<vmem>>, %arg5: memref<64x32xf32, #tpu.memory_space<vmem>>, %arg6: memref<32x1xf32, #tpu.memory_space<vmem>>, %arg7: memref<32x1xf32, #tpu.memory_space<vmem>>, %arg8: memref<32x2560xf32, #tpu.memory_space<vmem>>) attributes {dimension_semantics = [#tpu.dimension_semantics<arbitrary>], iteration_bounds = array<i64: 4>, scalar_prefetch = 0 : i64, scratch_operands = 0 : i64, tpu.core_type = #tpu.core_type<tc>, window_params = [{transform_indices = @transform_0, window_bounds = array<i64: 2560, 4>}, {transform_indices = @transform_1, window_bounds = array<i64: 2560, 4>}, {pipeline_mode = #tpu.pipeline_mode<synchronous>, transform_indices = @transform_2, window_bounds = array<i64: 4, 64>}, {pipeline_mode = #tpu.pipeline_mode<synchronous>, transform_indices = @transform_3, window_bounds = array<i64: 64, 1>}, {pipeline_mode = #tpu.pipeline_mode<synchronous>, transform_indices = @transform_4, window_bounds = array<i64: 64, 32>}, {pipeline_mode = #tpu.pipeline_mode<synchronous>, transform_indices = @transform_5, window_bounds = array<i64: 32, 1>}, {pipeline_mode = #tpu.pipeline_mode<synchronous>, transform_indices = @transform_6, window_bounds = array<i64: 32, 1>}, {transform_indices = @transform_7, window_bounds = array<i64: 32, 2560>}]} {
    %lt3A = arith.constant 2 : i32
    %lt3A_0 = arith.cmpi slt, %arg0, %lt3A : i32
    %get3A = arith.constant 0 : index
    %get3A_1 = arith.constant 0 : index
    %get3A_2 = vector.load %arg1[%get3A, %get3A_1] : memref<2560x4xf32, #tpu.memory_space<vmem>>, vector<2560x4xf32>
    %get3A_3 = arith.constant 0 : index
    %get3A_4 = arith.constant 0 : index
    %get3A_5 = vector.load %arg2[%get3A_3, %get3A_4] : memref<2560x4xf32, #tpu.memory_space<vmem>>, vector<2560x4xf32>
    %select_n3A = arith.select %lt3A_0, %get3A_2, %get3A_5 : vector<2560x4xf32>
    %get3A_6 = arith.constant 0 : index
    %get3A_7 = arith.constant 0 : index
    %get3A_8 = vector.load %arg3[%get3A_6, %get3A_7] : memref<4x64xf32, #tpu.memory_space<vmem>>, vector<4x64xf32>
    %dot_general3A = arith.constant dense<0.000000e+00> : vector<64x2560xf32>
    %dot_general3A_9 = tpu.matmul %get3A_8, %select_n3A, %dot_general3A {dimension_numbers = #tpu.dot_dimension_numbers<[0], [1], [1], [0], [0, 1, 1, 0], [], []>, transpose_lhs_hint = false} : vector<4x64xf32>, vector<2560x4xf32>, vector<64x2560xf32> -> vector<64x2560xf32>
    %get3A_10 = arith.constant 0 : index
    %get3A_11 = arith.constant 0 : index
    %get3A_12 = vector.load %arg4[%get3A_10, %get3A_11] : memref<64x1xf32, #tpu.memory_space<vmem>>, vector<64x1xf32>
    %add3A = vector.broadcast %get3A_12 : vector<64x1xf32> to vector<64x2560xf32>
    %add3A_13 = arith.addf %dot_general3A_9, %add3A : vector<64x2560xf32>
    %max3A = arith.constant 0.000000e+00 : f32
    %max3A_14 = vector.broadcast %max3A : f32 to vector<64x2560xf32>
    %max3A_15 = arith.maximumf %add3A_13, %max3A_14 : vector<64x2560xf32>
    %get3A_16 = arith.constant 0 : index
    %get3A_17 = arith.constant 0 : index
    %get3A_18 = vector.load %arg5[%get3A_16, %get3A_17] : memref<64x32xf32, #tpu.memory_space<vmem>>, vector<64x32xf32>
    %dot_general3A_19 = arith.constant dense<0.000000e+00> : vector<32x2560xf32>
    %dot_general3A_20 = tpu.matmul %get3A_18, %max3A_15, %dot_general3A_19 {dimension_numbers = #tpu.dot_dimension_numbers<[0], [0], [1], [1], [0, 1, 1, 1], [], []>, transpose_lhs_hint = false} : vector<64x32xf32>, vector<64x2560xf32>, vector<32x2560xf32> -> vector<32x2560xf32>
    %get3A_21 = arith.constant 0 : index
    %get3A_22 = arith.constant 0 : index
    %get3A_23 = vector.load %arg6[%get3A_21, %get3A_22] : memref<32x1xf32, #tpu.memory_space<vmem>>, vector<32x1xf32>
    %add3A_24 = vector.broadcast %get3A_23 : vector<32x1xf32> to vector<32x2560xf32>
    %add3A_25 = arith.addf %dot_general3A_20, %add3A_24 : vector<32x2560xf32>
    %jit3A = arith.constant 6.28318548 : f32
    %rem3A = vector.broadcast %jit3A : f32 to vector<32x2560xf32>
    %rem3A_26 = arith.remf %add3A_25, %rem3A : vector<32x2560xf32>
    %ne3A = arith.constant 0.000000e+00 : f32
    %ne3A_27 = vector.broadcast %ne3A : f32 to vector<32x2560xf32>
    %ne3A_28 = arith.cmpf one, %rem3A_26, %ne3A_27 : vector<32x2560xf32>
    %lt3A_29 = arith.constant 0.000000e+00 : f32
    %lt3A_30 = vector.broadcast %lt3A_29 : f32 to vector<32x2560xf32>
    %lt3A_31 = arith.cmpf olt, %rem3A_26, %lt3A_30 : vector<32x2560xf32>
    %lt3A_32 = arith.constant 0.000000e+00 : f32
    %lt3A_33 = arith.cmpf olt, %jit3A, %lt3A_32 : f32
    %ne3A_34 = vector.broadcast %lt3A_33 : i1 to vector<32x2560xi1>
    %ne3A_35 = vector.broadcast %ne3A_34 : vector<32x2560xi1> to vector<32x2560xi1>
    %ne3A_36 = arith.xori %lt3A_31, %ne3A_35 : vector<32x2560xi1>
    %and3A = arith.andi %ne3A_36, %ne3A_28 : vector<32x2560xi1>
    %add3A_37 = vector.broadcast %jit3A : f32 to vector<32x2560xf32>
    %add3A_38 = arith.addf %rem3A_26, %add3A_37 : vector<32x2560xf32>
    %select_n3A_39 = arith.select %and3A, %add3A_38, %rem3A_26 : vector<32x2560xi1>, vector<32x2560xf32>
    %get3A_40 = arith.constant 0 : index
    %get3A_41 = arith.constant 0 : index
    %get3A_42 = vector.load %arg7[%get3A_40, %get3A_41] : memref<32x1xf32, #tpu.memory_space<vmem>>, vector<32x1xf32>
    %mul3A = arith.constant 6.28318548 : f32
    %mul3A_43 = vector.broadcast %mul3A : f32 to vector<32x1xf32>
    %mul3A_44 = arith.mulf %mul3A_43, %get3A_42 : vector<32x1xf32>
    %mul3A_45 = arith.constant 0.00999999977 : f32
    %mul3A_46 = vector.broadcast %mul3A_45 : f32 to vector<32x1xf32>
    %mul3A_47 = arith.mulf %mul3A_44, %mul3A_46 : vector<32x1xf32>
    %add3A_48 = vector.broadcast %mul3A_47 : vector<32x1xf32> to vector<32x2560xf32>
    %add3A_49 = arith.addf %select_n3A_39, %add3A_48 : vector<32x2560xf32>
    %jit3A_50 = arith.constant 6.28318548 : f32
    %rem3A_51 = vector.broadcast %jit3A_50 : f32 to vector<32x2560xf32>
    %rem3A_52 = arith.remf %add3A_49, %rem3A_51 : vector<32x2560xf32>
    %ne3A_53 = arith.constant 0.000000e+00 : f32
    %ne3A_54 = vector.broadcast %ne3A_53 : f32 to vector<32x2560xf32>
    %ne3A_55 = arith.cmpf one, %rem3A_52, %ne3A_54 : vector<32x2560xf32>
    %lt3A_56 = arith.constant 0.000000e+00 : f32
    %lt3A_57 = vector.broadcast %lt3A_56 : f32 to vector<32x2560xf32>
    %lt3A_58 = arith.cmpf olt, %rem3A_52, %lt3A_57 : vector<32x2560xf32>
    %lt3A_59 = arith.constant 0.000000e+00 : f32
    %lt3A_60 = arith.cmpf olt, %jit3A_50, %lt3A_59 : f32
    %ne3A_61 = vector.broadcast %lt3A_60 : i1 to vector<32x2560xi1>
    %ne3A_62 = vector.broadcast %ne3A_61 : vector<32x2560xi1> to vector<32x2560xi1>
    %ne3A_63 = arith.xori %lt3A_58, %ne3A_62 : vector<32x2560xi1>
    %and3A_64 = arith.andi %ne3A_63, %ne3A_55 : vector<32x2560xi1>
    %add3A_65 = vector.broadcast %jit3A_50 : f32 to vector<32x2560xf32>
    %add3A_66 = arith.addf %rem3A_52, %add3A_65 : vector<32x2560xf32>
    %select_n3A_67 = arith.select %and3A_64, %add3A_66, %rem3A_52 : vector<32x2560xi1>, vector<32x2560xf32>
    %mul3A_68 = arith.constant 6.28318548 : f32
    %mul3A_69 = vector.broadcast %mul3A_68 : f32 to vector<32x1xf32>
    %mul3A_70 = arith.mulf %mul3A_69, %get3A_42 : vector<32x1xf32>
    %mul3A_71 = arith.constant 0.00999999977 : f32
    %mul3A_72 = vector.broadcast %mul3A_71 : f32 to vector<32x1xf32>
    %mul3A_73 = arith.mulf %mul3A_70, %mul3A_72 : vector<32x1xf32>
    %add3A_74 = vector.broadcast %mul3A_73 : vector<32x1xf32> to vector<32x2560xf32>
    %add3A_75 = arith.addf %select_n3A_67, %add3A_74 : vector<32x2560xf32>
    %jit3A_76 = arith.constant 6.28318548 : f32
    %rem3A_77 = vector.broadcast %jit3A_76 : f32 to vector<32x2560xf32>
    %rem3A_78 = arith.remf %add3A_75, %rem3A_77 : vector<32x2560xf32>
    %ne3A_79 = arith.constant 0.000000e+00 : f32
    %ne3A_80 = vector.broadcast %ne3A_79 : f32 to vector<32x2560xf32>
    %ne3A_81 = arith.cmpf one, %rem3A_78, %ne3A_80 : vector<32x2560xf32>
    %lt3A_82 = arith.constant 0.000000e+00 : f32
    %lt3A_83 = vector.broadcast %lt3A_82 : f32 to vector<32x2560xf32>
    %lt3A_84 = arith.cmpf olt, %rem3A_78, %lt3A_83 : vector<32x2560xf32>
    %lt3A_85 = arith.constant 0.000000e+00 : f32
    %lt3A_86 = arith.cmpf olt, %jit3A_76, %lt3A_85 : f32
    %ne3A_87 = vector.broadcast %lt3A_86 : i1 to vector<32x2560xi1>
    %ne3A_88 = vector.broadcast %ne3A_87 : vector<32x2560xi1> to vector<32x2560xi1>
    %ne3A_89 = arith.xori %lt3A_84, %ne3A_88 : vector<32x2560xi1>
    %and3A_90 = arith.andi %ne3A_89, %ne3A_81 : vector<32x2560xi1>
    %add3A_91 = vector.broadcast %jit3A_76 : f32 to vector<32x2560xf32>
    %add3A_92 = arith.addf %rem3A_78, %add3A_91 : vector<32x2560xf32>
    %select_n3A_93 = arith.select %and3A_90, %add3A_92, %rem3A_78 : vector<32x2560xi1>, vector<32x2560xf32>
    %mul3A_94 = arith.constant 6.28318548 : f32
    %mul3A_95 = vector.broadcast %mul3A_94 : f32 to vector<32x1xf32>
    %mul3A_96 = arith.mulf %mul3A_95, %get3A_42 : vector<32x1xf32>
    %mul3A_97 = arith.constant 0.00999999977 : f32
    %mul3A_98 = vector.broadcast %mul3A_97 : f32 to vector<32x1xf32>
    %mul3A_99 = arith.mulf %mul3A_96, %mul3A_98 : vector<32x1xf32>
    %add3A_100 = vector.broadcast %mul3A_99 : vector<32x1xf32> to vector<32x2560xf32>
    %add3A_101 = arith.addf %select_n3A_93, %add3A_100 : vector<32x2560xf32>
    %jit3A_102 = arith.constant 6.28318548 : f32
    %rem3A_103 = vector.broadcast %jit3A_102 : f32 to vector<32x2560xf32>
    %rem3A_104 = arith.remf %add3A_101, %rem3A_103 : vector<32x2560xf32>
    %ne3A_105 = arith.constant 0.000000e+00 : f32
    %ne3A_106 = vector.broadcast %ne3A_105 : f32 to vector<32x2560xf32>
    %ne3A_107 = arith.cmpf one, %rem3A_104, %ne3A_106 : vector<32x2560xf32>
    %lt3A_108 = arith.constant 0.000000e+00 : f32
    %lt3A_109 = vector.broadcast %lt3A_108 : f32 to vector<32x2560xf32>
    %lt3A_110 = arith.cmpf olt, %rem3A_104, %lt3A_109 : vector<32x2560xf32>
    %lt3A_111 = arith.constant 0.000000e+00 : f32
    %lt3A_112 = arith.cmpf olt, %jit3A_102, %lt3A_111 : f32
    %ne3A_113 = vector.broadcast %lt3A_112 : i1 to vector<32x2560xi1>
    %ne3A_114 = vector.broadcast %ne3A_113 : vector<32x2560xi1> to vector<32x2560xi1>
    %ne3A_115 = arith.xori %lt3A_110, %ne3A_114 : vector<32x2560xi1>
    %and3A_116 = arith.andi %ne3A_115, %ne3A_107 : vector<32x2560xi1>
    %add3A_117 = vector.broadcast %jit3A_102 : f32 to vector<32x2560xf32>
    %add3A_118 = arith.addf %rem3A_104, %add3A_117 : vector<32x2560xf32>
    %select_n3A_119 = arith.select %and3A_116, %add3A_118, %rem3A_104 : vector<32x2560xi1>, vector<32x2560xf32>
    %mul3A_120 = arith.constant 6.28318548 : f32
    %mul3A_121 = vector.broadcast %mul3A_120 : f32 to vector<32x1xf32>
    %mul3A_122 = arith.mulf %mul3A_121, %get3A_42 : vector<32x1xf32>
    %mul3A_123 = arith.constant 0.00999999977 : f32
    %mul3A_124 = vector.broadcast %mul3A_123 : f32 to vector<32x1xf32>
    %mul3A_125 = arith.mulf %mul3A_122, %mul3A_124 : vector<32x1xf32>
    %add3A_126 = vector.broadcast %mul3A_125 : vector<32x1xf32> to vector<32x2560xf32>
    %add3A_127 = arith.addf %select_n3A_119, %add3A_126 : vector<32x2560xf32>
    %jit3A_128 = arith.constant 6.28318548 : f32
    %rem3A_129 = vector.broadcast %jit3A_128 : f32 to vector<32x2560xf32>
    %rem3A_130 = arith.remf %add3A_127, %rem3A_129 : vector<32x2560xf32>
    %ne3A_131 = arith.constant 0.000000e+00 : f32
    %ne3A_132 = vector.broadcast %ne3A_131 : f32 to vector<32x2560xf32>
    %ne3A_133 = arith.cmpf one, %rem3A_130, %ne3A_132 : vector<32x2560xf32>
    %lt3A_134 = arith.constant 0.000000e+00 : f32
    %lt3A_135 = vector.broadcast %lt3A_134 : f32 to vector<32x2560xf32>
    %lt3A_136 = arith.cmpf olt, %rem3A_130, %lt3A_135 : vector<32x2560xf32>
    %lt3A_137 = arith.constant 0.000000e+00 : f32
    %lt3A_138 = arith.cmpf olt, %jit3A_128, %lt3A_137 : f32
    %ne3A_139 = vector.broadcast %lt3A_138 : i1 to vector<32x2560xi1>
    %ne3A_140 = vector.broadcast %ne3A_139 : vector<32x2560xi1> to vector<32x2560xi1>
    %ne3A_141 = arith.xori %lt3A_136, %ne3A_140 : vector<32x2560xi1>
    %and3A_142 = arith.andi %ne3A_141, %ne3A_133 : vector<32x2560xi1>
    %add3A_143 = vector.broadcast %jit3A_128 : f32 to vector<32x2560xf32>
    %add3A_144 = arith.addf %rem3A_130, %add3A_143 : vector<32x2560xf32>
    %select_n3A_145 = arith.select %and3A_142, %add3A_144, %rem3A_130 : vector<32x2560xi1>, vector<32x2560xf32>
    %mul3A_146 = arith.constant 6.28318548 : f32
    %mul3A_147 = vector.broadcast %mul3A_146 : f32 to vector<32x1xf32>
    %mul3A_148 = arith.mulf %mul3A_147, %get3A_42 : vector<32x1xf32>
    %mul3A_149 = arith.constant 0.00999999977 : f32
    %mul3A_150 = vector.broadcast %mul3A_149 : f32 to vector<32x1xf32>
    %mul3A_151 = arith.mulf %mul3A_148, %mul3A_150 : vector<32x1xf32>
    %add3A_152 = vector.broadcast %mul3A_151 : vector<32x1xf32> to vector<32x2560xf32>
    %add3A_153 = arith.addf %select_n3A_145, %add3A_152 : vector<32x2560xf32>
    %jit3A_154 = arith.constant 6.28318548 : f32
    %rem3A_155 = vector.broadcast %jit3A_154 : f32 to vector<32x2560xf32>
    %rem3A_156 = arith.remf %add3A_153, %rem3A_155 : vector<32x2560xf32>
    %ne3A_157 = arith.constant 0.000000e+00 : f32
    %ne3A_158 = vector.broadcast %ne3A_157 : f32 to vector<32x2560xf32>
    %ne3A_159 = arith.cmpf one, %rem3A_156, %ne3A_158 : vector<32x2560xf32>
    %lt3A_160 = arith.constant 0.000000e+00 : f32
    %lt3A_161 = vector.broadcast %lt3A_160 : f32 to vector<32x2560xf32>
    %lt3A_162 = arith.cmpf olt, %rem3A_156, %lt3A_161 : vector<32x2560xf32>
    %lt3A_163 = arith.constant 0.000000e+00 : f32
    %lt3A_164 = arith.cmpf olt, %jit3A_154, %lt3A_163 : f32
    %ne3A_165 = vector.broadcast %lt3A_164 : i1 to vector<32x2560xi1>
    %ne3A_166 = vector.broadcast %ne3A_165 : vector<32x2560xi1> to vector<32x2560xi1>
    %ne3A_167 = arith.xori %lt3A_162, %ne3A_166 : vector<32x2560xi1>
    %and3A_168 = arith.andi %ne3A_167, %ne3A_159 : vector<32x2560xi1>
    %add3A_169 = vector.broadcast %jit3A_154 : f32 to vector<32x2560xf32>
    %add3A_170 = arith.addf %rem3A_156, %add3A_169 : vector<32x2560xf32>
    %select_n3A_171 = arith.select %and3A_168, %add3A_170, %rem3A_156 : vector<32x2560xi1>, vector<32x2560xf32>
    %select_n3A_172 = arith.select %lt3A_0, %select_n3A_171, %select_n3A_39 : vector<32x2560xf32>
    %swap3A = arith.constant 0 : index
    %swap3A_173 = arith.constant 0 : index
    %swap3A_174 = vector.load %arg8[%swap3A, %swap3A_173] : memref<32x2560xf32, #tpu.memory_space<vmem>>, vector<32x2560xf32>
    tpu.vector_store %arg8[%swap3A, %swap3A_173], %select_n3A_172 {strides = array<i32>} : memref<32x2560xf32, #tpu.memory_space<vmem>>, vector<32x2560xf32>,
    return
  }
  func.func @transform_0(%arg0: i32) -> (i32, i32) {
    %min3A = arith.constant 1 : i32
    %min3A_0 = arith.minsi %arg0, %min3A : i32
    %c0_i32 = arith.constant 0 : i32
    %c0_i32_1 = arith.constant 0 : i32
    return %min3A_0, %c0_i32 : i32, i32
  }
  func.func @transform_1(%arg0: i32) -> (i32, i32) {
    %sub3A = arith.constant 2 : i32
    %sub3A_0 = arith.subi %arg0, %sub3A : i32
    %jit3A = arith.constant 0 : i32
    %jit3A_1 = arith.constant 1 : i32
    %max3A = arith.maxsi %jit3A, %sub3A_0 : i32
    %min3A = arith.minsi %jit3A_1, %max3A : i32
    %c0_i32 = arith.constant 0 : i32
    %c0_i32_2 = arith.constant 0 : i32
    return %min3A, %c0_i32 : i32, i32
  }
  func.func @transform_2(%arg0: i32) -> (i32, i32) {
    %c0_i32 = arith.constant 0 : i32
    %c0_i32_0 = arith.constant 0 : i32
    %c0_i32_1 = arith.constant 0 : i32
    return %c0_i32, %c0_i32_0 : i32, i32
  }
  func.func @transform_3(%arg0: i32) -> (i32, i32) {
    %c0_i32 = arith.constant 0 : i32
    %c0_i32_0 = arith.constant 0 : i32
    %c0_i32_1 = arith.constant 0 : i32
    return %c0_i32, %c0_i32_0 : i32, i32
  }
  func.func @transform_4(%arg0: i32) -> (i32, i32) {
    %c0_i32 = arith.constant 0 : i32
    %c0_i32_0 = arith.constant 0 : i32
    %c0_i32_1 = arith.constant 0 : i32
    return %c0_i32, %c0_i32_0 : i32, i32
  }
  func.func @transform_5(%arg0: i32) -> (i32, i32) {
    %c0_i32 = arith.constant 0 : i32
    %c0_i32_0 = arith.constant 0 : i32
    %c0_i32_1 = arith.constant 0 : i32
    return %c0_i32, %c0_i32_0 : i32, i32
  }
  func.func @transform_6(%arg0: i32) -> (i32, i32) {
    %c0_i32 = arith.constant 0 : i32
    %c0_i32_0 = arith.constant 0 : i32
    %c0_i32_1 = arith.constant 0 : i32
    return %c0_i32, %c0_i32_0 : i32, i32
  }
  func.func @transform_7(%arg0: i32) -> (i32, i32) {
    %c0_i32 = arith.constant 0 : i32
    %c0_i32_0 = arith.constant 0 : i32
    return %c0_i32, %arg0 : i32, i32
  }
}

module attributes {stable_mosaic.version = 14 : i64} {
  func.func @_sim_body(%arg0: i32, %arg1: memref<32x1024xf32, #tpu.memory_space<vmem>>, %arg2: memref<32x1024xf32, #tpu.memory_space<vmem>>, %arg3: memref<32x5120xf32, #tpu.memory_space<vmem>>, %arg4: memref<32x5120xf32, #tpu.memory_space<vmem>>, %arg5: memref<1024x5120xf32, #tpu.memory_space<vmem>>, %arg6: memref<1024xf32, #tpu.memory_space<vmem>>, %arg7: memref<1024xi32, #tpu.memory_space<vmem>>) attributes {dimension_semantics = [#tpu.dimension_semantics<arbitrary>], iteration_bounds = array<i64: 5>, scalar_prefetch = 0 : i64, scratch_operands = 0 : i64, tpu.core_type = #tpu.core_type<tc>, window_params = [{transform_indices = @transform_0, window_bounds = array<i64: 32, 1024>}, {transform_indices = @transform_1, window_bounds = array<i64: 32, 1024>}, {transform_indices = @transform_2, window_bounds = array<i64: 32, 5120>}, {transform_indices = @transform_3, window_bounds = array<i64: 32, 5120>}, {transform_indices = @transform_4, window_bounds = array<i64: 1024, 5120>}, {transform_indices = @transform_5, window_bounds = array<i64: 1024>}, {transform_indices = @transform_6, window_bounds = array<i64: 1024>}]} {
    %get3A = arith.constant 0 : index
    %get3A_0 = arith.constant 0 : index
    %get3A_1 = vector.load %arg1[%get3A, %get3A_0] : memref<32x1024xf32, #tpu.memory_space<vmem>>, vector<32x1024xf32>
    %get3A_2 = arith.constant 0 : index
    %get3A_3 = arith.constant 0 : index
    %get3A_4 = vector.load %arg3[%get3A_2, %get3A_3] : memref<32x5120xf32, #tpu.memory_space<vmem>>, vector<32x5120xf32>
    %dot_general3A = arith.constant dense<0.000000e+00> : vector<1024x5120xf32>
    %dot_general3A_5 = tpu.matmul %get3A_1, %get3A_4, %dot_general3A {dimension_numbers = #tpu.dot_dimension_numbers<[0], [0], [1], [1], [0, 1, 1, 1], [], []>, transpose_lhs_hint = false} : vector<32x1024xf32>, vector<32x5120xf32>, vector<1024x5120xf32> -> vector<1024x5120xf32>
    %get3A_6 = arith.constant 0 : index
    %get3A_7 = arith.constant 0 : index
    %get3A_8 = vector.load %arg2[%get3A_6, %get3A_7] : memref<32x1024xf32, #tpu.memory_space<vmem>>, vector<32x1024xf32>
    %get3A_9 = arith.constant 0 : index
    %get3A_10 = arith.constant 0 : index
    %get3A_11 = vector.load %arg4[%get3A_9, %get3A_10] : memref<32x5120xf32, #tpu.memory_space<vmem>>, vector<32x5120xf32>
    %dot_general3A_12 = arith.constant dense<0.000000e+00> : vector<1024x5120xf32>
    %dot_general3A_13 = tpu.matmul %get3A_8, %get3A_11, %dot_general3A_12 {dimension_numbers = #tpu.dot_dimension_numbers<[0], [0], [1], [1], [0, 1, 1, 1], [], []>, transpose_lhs_hint = false} : vector<32x1024xf32>, vector<32x5120xf32>, vector<1024x5120xf32> -> vector<1024x5120xf32>
    %add3A = arith.addf %dot_general3A_5, %dot_general3A_13 : vector<1024x5120xf32>
    %swap3A = arith.constant 0 : index
    %swap3A_14 = arith.constant 0 : index
    %swap3A_15 = vector.load %arg5[%swap3A, %swap3A_14] : memref<1024x5120xf32, #tpu.memory_space<vmem>>, vector<1024x5120xf32>
    tpu.vector_store %arg5[%swap3A, %swap3A_14], %add3A {strides = array<i32>} : memref<1024x5120xf32, #tpu.memory_space<vmem>>, vector<1024x5120xf32>,
    %iota3A = tpu.iota {dimensions = array<i32: 1>} : vector<1024x5120xi32>
    %reduce_max3A = arith.constant dense<0xFF800000> : vector<1024xf32>
    %reduce_max3A_16 = vector.multi_reduction <maximumf>, %add3A, %reduce_max3A [1] : vector<1024x5120xf32> to vector<1024xf32>
    %broadcast_in_dim3A = vector.shape_cast %reduce_max3A_16 : vector<1024xf32> to vector<1024x1xf32>
    %eq3A = vector.broadcast %broadcast_in_dim3A : vector<1024x1xf32> to vector<1024x5120xf32>
    %eq3A_17 = arith.cmpf oeq, %add3A, %eq3A : vector<1024x5120xf32>
    %jit3A = arith.constant 1073741824 : i32
    %broadcast_in_dim3A_18 = vector.broadcast %jit3A : i32 to vector<1024x5120xi32>
    %select_n3A = arith.select %eq3A_17, %iota3A, %broadcast_in_dim3A_18 : vector<1024x5120xi1>, vector<1024x5120xi32>
    %reduce_min3A = arith.constant dense<2147483647> : vector<1024xi32>
    %reduce_min3A_19 = vector.multi_reduction <minsi>, %select_n3A, %reduce_min3A [1] : vector<1024x5120xi32> to vector<1024xi32>
    %swap3A_20 = arith.constant 0 : index
    %swap3A_21 = vector.load %arg6[%swap3A_20] : memref<1024xf32, #tpu.memory_space<vmem>>, vector<1024xf32>
    tpu.vector_store %arg6[%swap3A_20], %reduce_max3A_16 {strides = array<i32>} : memref<1024xf32, #tpu.memory_space<vmem>>, vector<1024xf32>,
    %swap3A_22 = arith.constant 0 : index
    %swap3A_23 = vector.load %arg7[%swap3A_22] : memref<1024xi32, #tpu.memory_space<vmem>>, vector<1024xi32>
    tpu.vector_store %arg7[%swap3A_22], %reduce_min3A_19 {strides = array<i32>} : memref<1024xi32, #tpu.memory_space<vmem>>, vector<1024xi32>,
    return
  }
  func.func @transform_0(%arg0: i32) -> (i32, i32) {
    %c0_i32 = arith.constant 0 : i32
    %c0_i32_0 = arith.constant 0 : i32
    return %c0_i32, %arg0 : i32, i32
  }
  func.func @transform_1(%arg0: i32) -> (i32, i32) {
    %c0_i32 = arith.constant 0 : i32
    %c0_i32_0 = arith.constant 0 : i32
    return %c0_i32, %arg0 : i32, i32
  }
  func.func @transform_2(%arg0: i32) -> (i32, i32) {
    %c0_i32 = arith.constant 0 : i32
    %c1_i32 = arith.constant 1 : i32
    %c0_i32_0 = arith.constant 0 : i32
    return %c0_i32, %c1_i32 : i32, i32
  }
  func.func @transform_3(%arg0: i32) -> (i32, i32) {
    %c0_i32 = arith.constant 0 : i32
    %c1_i32 = arith.constant 1 : i32
    %c0_i32_0 = arith.constant 0 : i32
    return %c0_i32, %c1_i32 : i32, i32
  }
  func.func @transform_4(%arg0: i32) -> (i32, i32) {
    %c0_i32 = arith.constant 0 : i32
    %c0_i32_0 = arith.constant 0 : i32
    return %arg0, %c0_i32 : i32, i32
  }
  func.func @transform_5(%arg0: i32) -> i32 {
    %c0_i32 = arith.constant 0 : i32
    return %arg0 : i32
  }
  func.func @transform_6(%arg0: i32) -> i32 {
    %c0_i32 = arith.constant 0 : i32
    return %arg0 : i32
  }
}

</mosaic_0001>

<sc_bundles>
// kernel: kernel.6.cloned.1.call-start
scs
__scs_entry_jumppad:
0x0: {  	(pc) =	sbr.rel $0x88, $3  }
0x1: {  	(tag) =	ssettag $0x0;
	lr =	simm.s32 $0x1  }
0x2: {  	[smem:$0x3F9B] =	sst lr;
	_ =	strace $0xD0000000  }
0x3: {  	_ = 	snop  }
0x4: {  	_ = 	snop  }
0x5: {  	_ = 	snop  }
0x6: {  	_ = 	snop  }
0x7: {  	_ = 	snop  }
__scs_overlays_trampoline_lowered:
0x8: {  	[smem:$0x3FAA] =	sst s0  }
0x9: {  	[smem:$0x3FAB] =	sst s1  }
0xa: {  	[smem:$0x3FAC] =	sst s2  }
0xb: {  	[smem:$0x3FAD] =	sst s3  }
0xc: {  	[smem:$0x3FAE] =	sst s4  }
0xd: {  	[smem:$0x3FAF] =	sst s5  }
0xe: {  	[smem:$0x3FB0] =	sst s6  }
0xf: {  	[smem:$0x3FB1] =	sst s7  }
0x10: {  	[smem:$0x3FB2] =	sst s8  }
0x11: {  	[smem:$0x3FB3] =	sst s9;
	s0 =	simm.s32 @!p0 $0x0  }
0x12: {  	s1 =	sld [smem:$0x3F99];
	s0 =	simm.s32 @p0 $0x1  }
0x13: {  	[smem:$0x3FB4] =	sst s0;
	s0 =	simm.s32 @!p1 $0x0  }
0x14: {  	s2 =	sld [smem:$0x3F98];
	s0 =	simm.s32 @p1 $0x1  }
0x15: {  	[smem:$0x3FB5] =	sst s0;
	s0 =	simm.s32 @!p2 $0x0  }
0x16: {  	s3 =	sld [smem:$0x3FDB];
	s0 =	simm.s32 @p2 $0x1  }
0x17: {  	s4 =	simm.s32 $0x1BF5;
	[smem:$0x3FB7] =	sst s0  }
0x18: {  	s0 =	sld [smem:$0x3F9A];
	_ =	swait.ge [sflag:s4], $0x0  }
0x19: {  	s7 =	sld [smem:$0x3F9B]  }
0x1a: {  	s8 =	sadd.s32 $0xFFFFE003, lr  }
0x1b: {  	s9 =	sadd.s32 $0xFFFFFEF7, lr;
	s5 =	simm.s32 $0xFFFFFFFF;
	p2 =	slt.u32 s8, $0xFFFFF086  }
0x1c: {  	p1 =	slt.u32 s9, $0xF7A;
	s5 =	simm.s32 @!p2 $0x0  }
0x1d: {  	s5 =	simm.s32 @p1 $0x1;
	p0 =	seq.s32 s7, s2  }
0x1e: {  	s7 =	smul.u32 @!p0 $0xF7A, s2;
	p2 =	seq.s32 @!p0 s5, $0x0  }
0x1f: {  	s9 =	smul.u32 $0xF7A, s1;
	s8 =	simm.s32 @!p0 $0x1BF5;
	p2 =	por !p2, p0  }
0x20: {  	[sflag:s8] =	ssyncset.s32 @!p0 $0xFFFFF086;
	s6 =	sadd.s32 @!p0 s3, s7;
	s7 =	simm.s32 @!p0 $0x108  }
0x21: {  	s3 =	sadd.s32 s3, s9;
	s6 =	sadd.s32 @!p0 $0x88, s6;
	s7 =	simm.s32 @p2 $0x1082  }
0x22: {  	[simem:s7], [sflag:s8] =	dma.local @!p0 [hbm:s6], $0xF7A  }
0x23: {  	s9 =	sor.u32 $0xD0000000, s2;
	s6 =	simm.s32 $0x108;
	_ =	swait.ge @!p0 [sflag:s8], $0x0  }
0x24: {  	s3 =	sadd.s32 $0x88, s3;
	s6 =	simm.s32 @!p1 $0x1082;
	[sflag:s4] =	ssyncset.s32 $0xFFFFF086  }
0x25: {  	[simem:s6], [sflag:s4] =	dma.local [hbm:s3], $0xF7A  }
0x26: {  	[smem:$0x3F9B] =	sst s1;
	(tag) =	ssettag s2;
	_ =	strace s9  }
0x27: {  	s1 =	sld [smem:$0x3FAB]  }
0x28: {  	s2 =	sld [smem:$0x3FAC]  }
0x29: {  	s4 =	sld [smem:$0x3FAE]  }
0x2a: {  	p0 =	seq.s32 s5, $0x0;
	s5 =	sld [smem:$0x3FAF]  }
0x2b: {  	s6 =	sld [smem:$0x3FB0]  }
0x2c: {  	s7 =	sld [smem:$0x3FB1]  }
0x2d: {  	s3 =	simm.s32 $0x108;
	s8 =	sld [smem:$0x3FB2]  }
0x2e: {  	s3 =	simm.s32 @!p0 $0x1082;
	s9 =	sld [smem:$0x3FB3]  }
0x2f: {  	lr =	sadd.s32 s0, s3;
	s0 =	sld [smem:$0x3FAA]  }
0x30: {  	s3 =	sld [smem:$0x3FAD]  }
0x31: {  	[smem:$0x3FB6] =	sst s10  }
0x32: {  	s10 =	sld [smem:$0x3FB4];
	_ =	sdelay $0x3  }
0x33: {  	p0 =	seq.s32 s10, $0x1;
	s10 =	sld [smem:$0x3FB6];
	_ =	sdelay $0x3  }
0x34: {  	[smem:$0x3FB6] =	sst s10  }
0x35: {  	s10 =	sld [smem:$0x3FB5];
	_ =	sdelay $0x3  }
0x36: {  	p1 =	seq.s32 s10, $0x1;
	s10 =	sld [smem:$0x3FB6];
	_ =	sdelay $0x3  }
0x37: {  	[smem:$0x3FB6] =	sst s10  }
0x38: {  	s10 =	sld [smem:$0x3FB7]  }
0x39: {  	_ = 	snop;
	(pc) =	sbr.ind lr, $3  }
0x3a: {  	_ = 	snop  }
0x3b: {  	_ = 	snop  }
0x3c: {  	p2 =	seq.s32 s10, $0x1;
	s10 =	sld [smem:$0x3FB6]  }
0x3d: {  	_ =	shalt  }
0x3e: {  	_ =	shalt  }
0x3f: {  	_ =	shalt  }
0x40: {  	_ =	shalt  }
0x41: {  	_ =	shalt  }
0x42: {  	_ =	shalt  }
0x43: {  	_ =	shalt  }
0x44: {  	_ =	shalt  }
0x45: {  	_ =	shalt  }
0x46: {  	_ =	shalt  }
0x47: {  	_ =	shalt  }
0x48: {  	_ =	shalt  }
0x49: {  	_ =	shalt  }
0x4a: {  	_ =	shalt  }
0x4b: {  	_ =	shalt  }
0x4c: {  	_ =	shalt  }
0x4d: {  	_ =	shalt  }
0x4e: {  	_ =	shalt  }
0x4f: {  	_ =	shalt  }
0x50: {  	_ =	shalt  }
0x51: {  	_ =	shalt  }
0x52: {  	_ =	shalt  }
0x53: {  	_ =	shalt  }
0x54: {  	_ =	shalt  }
0x55: {  	_ =	shalt  }
0x56: {  	_ =	shalt  }
0x57: {  	_ =	shalt  }
0x58: {  	_ =	shalt  }
0x59: {  	_ =	shalt  }
0x5a: {  	_ =	shalt  }
0x5b: {  	_ =	shalt  }
0x5c: {  	_ =	shalt  }
0x5d: {  	_ =	shalt  }
0x5e: {  	_ =	shalt  }
0x5f: {  	_ =	shalt  }
0x60: {  	_ =	shalt  }
0x61: {  	_ =	shalt  }
0x62: {  	_ =	shalt  }
0x63: {  	_ =	shalt  }
0x64: {  	_ =	shalt  }
0x65: {  	_ =	shalt  }
0x66: {  	_ =	shalt  }
0x67: {  	_ =	shalt  }
0x68: {  	_ =	shalt  }
0x69: {  	_ =	shalt  }
0x6a: {  	_ =	shalt  }
0x6b: {  	_ =	shalt  }
0x6c: {  	_ =	shalt  }
0x6d: {  	_ =	shalt  }
0x6e: {  	_ =	shalt  }
0x6f: {  	_ =	shalt  }
0x70: {  	_ =	shalt  }
0x71: {  	_ =	shalt  }
0x72: {  	_ =	shalt  }
0x73: {  	_ =	shalt  }
0x74: {  	_ =	shalt  }
0x75: {  	_ =	shalt  }
0x76: {  	_ =	shalt  }
0x77: {  	_ =	shalt  }
0x78: {  	_ =	shalt  }
0x79: {  	_ =	shalt  }
0x7a: {  	_ =	shalt  }
0x7b: {  	_ =	shalt  }
0x7c: {  	_ =	shalt  }
0x7d: {  	_ =	shalt  }
0x7e: {  	_ =	shalt  }
0x7f: {  	_ =	shalt  }
0x80: {  	_ =	shalt  }
0x81: {  	_ =	shalt  }
0x82: {  	_ =	shalt  }
0x83: {  	_ =	shalt  }
0x84: {  	_ =	shalt  }
0x85: {  	_ =	shalt  }
0x86: {  	_ =	shalt  }
0x87: {  	_ =	shalt  }
.Lfunc_end0:
.L_simem_size_0:
called_computation_lowered:
.L_overlay_start_0:
0x88: {  	s2 =	sld [smem:$0x3FD9]  }
0x89: {  	s3 =	sld [smem:$0x3FFE];
	_ =	sdelay $0x1  }
0x8a: {  	s1 =	srdreg.scid  }
0x8b: {  	s0 =	sand.u32 $0x1, s1  }
0x8c: {  	s16 =	sshll.u32 s0, $0xA;
	s2 =	sadd.s32 s3, s2  }
0x8d: {  	s2 =	sadd.s32 s2, s16  }
0x8e: {  	[smem:$0x3FC2] =	sst s2  }
0x8f: {  	_ = 	snop  }
0x90: {  	(tm) =	ssettm $0x1  }
0x91: {  	s17 =	sld [smem:$0x3FFB];
	_ =	sdelay $0x3  }
0x92: {  	_ =	strace s17  }
0x93: {  	s2 =	sld [smem:$0x3FFC];
	_ =	sdelay $0x3  }
0x94: {  	_ =	strace s2  }
0x95: {  	s2 =	sld [smem:$0x3FFD];
	_ =	sdelay $0x3  }
0x96: {  	_ =	strace s2  }
0x97: {  	_ =	strace $0x8FFFFFFF  }
0x98: {  	s18 =	sld [smem:$0x3FDB];
	_ =	sdelay $0x1  }
0x99: {  	s19 =	simm.s32 $_scs_section_size  }
0x9a: {  	s4 =	simm.s32 $_size__tile_overlayer_lowered;
	s5 =	simm.s32 $_tile_overlayer_lowered  }
0x9b: {  	s22 =	simm.s32 $0x1BFF;
	s21 =	sshll.u32 s5, $0x1;
	s2 =	sadd.s32 s19, s18  }
0x9c: {  	s6 =	simm.s32 $0x0;
	s20 =	sshll.u32 s4, $0x1;
	s4 =	sadd.s32 s21, s2  }
0x9d: {  	[timem:s6], [sflag:s22] =	dma.local [hbm:s4], s20  }
0x9e: {  	_ =	swait.ge [sflag:s22], s20  }
0x9f: {  	s3 =	ssub.s32 $0x0, s20;
	[sflag:s22] =	ssyncset.done $0x0  }
0xa0: {  	[sflag:s22] =	ssyncadd.s32 s3;
	_ =	sdelay $0x1  }
0xa1: {  	s23 =	simm.s32 $0x1B8B  }
0xa2: {  	_ =	swait.ge [sflag:s23], $0x1  }
0xa3: {  	[sflag:s23] =	ssyncset.done $0x0  }
0xa4: {  	s25 =	simm.s32 $0x1B8E;
	s24 =	sld [smem:$0x3FFE];
	[sflag:s23] =	ssyncadd.s32 $0xFFFFFFFF  }
0xa5: {  	s26 =	simm.s32 $execute0_lowered;
	[smem:$0x3FD2] =	sst s25  }
0xa6: {  	s4 =	sshll.u32 s26, $0x1;
	_ =	strace $0x80000046;
	[dreg:$0x1] =	wrdreg $0xFFFFFFFF  }
0xa7: {  	s28 =	simm.s32 $_size_execute0_lowered;
	s2 =	sadd.s32 s2, s4;
	[dreg:$0x0] =	wrdreg $0x0  }
0xa8: {  	s4 =	sshll.u32 s28, $0x1;
	[dreg:$0x2] =	wrdreg s2  }
0xa9: {  	[dreg:$0x3] =	wrdreg s4  }
0xaa: {  	[dreg:$0x4] =	wrdreg $0xC0  }
0xab: {  	_ =	task [dreg:s6], $0x5FFFF  }
0xac: {  	[dreg:$0x1] =	wrdreg $0xFFFFFFFF  }
0xad: {  	[dreg:$0x0] =	wrdreg $0x60  }
0xae: {  	[dreg:$0x2] =	wrdreg s24  }
0xaf: {  	[dreg:$0x3] =	wrdreg $0x9  }
0xb0: {  	_ =	task.clear_ibuf [dreg:s6], $0x4FFFF;
	_ =	strace $0x90000046  }
0xb1: {  	s29 =	simm.s32 $0x9;
	_ =	strace $0x80000048  }
0xb2: {  	_ =	swait.ge [sflag:s29], $0x1  }
0xb3: {  	[sflag:s29] =	ssyncadd.s32 $0xFFFFFFFF  }
0xb4: {  	_ =	strace $0x90000048  }
0xb5: {  	_ =	sfence  }
0xb6: {  	s30 =	sld [smem:$0x0];
	_ =	sdelay $0x2  }
0xb7: {  	s31 =	sshll.u32 s1, $0xD;
	s1 =	sshrl.u32 s1, $0x2  }
0xb8: {  	s3 =	sand.u32 $0x4000, s31;
	s1 =	sadd.s32 s1, s30  }
0xb9: {  	s0 =	sor.u32 s3, s0;
	s1 =	sshll.u32 s1, $0x11  }
0xba: {  	s0 =	sor.u32 s1, s0  }
0xbb: {  	s0 =	sadd.s32 $0x8F2B, s0  }
0xbc: {  	[sflag:s0] =	ssyncadd.remote.s32 $0x1  }
0xbd: {  	_ =	sfence.sel $0xFFFF  }
0xbe: {  	[dreg:$0x0] =	wrdreg $0xFFFFFFFF;
	(pc) =	sbr.abs _section_cstart, $3  }
0xbf: {  	[dreg:$0x1] =	wrdreg $0xFFFFFFFF  }
0xc0: {  	_ =	task.clear_ibuf [dreg:s6], $0x2FFFF;
	_ =	strace $0x9FFFFFFF  }
0xc1: {  	(tm) =	ssettm $0x7FFFFFFF  }
tec
execute0_lowered:
.L_overlay_start_1:
0x0: {  	(tag) =	ssettag $0x1  }
0x1: {  	s1 =	srdreg.scid  }
0x2: {  	s0 =	stileid.u32;
	s5 =	rddreg [dreg:$0x0]  }
0x3: {  	s2 =	simm.s32 $0x0;
	s10 =	simm.s32 $0x3C80;
	s11 =	simm.s32 $0x5100  }
0x4: {  	s3 =	sand.u32 $0x1, s1;
	s4 =	sshll.u32 s0, $0x1;
	s1 =	rddreg [dreg:$0x1]  }
0x5: {  	s12 =	simm.s32 $0x0;
	[smem:$0x7FF] =	sst s2;
	s4 =	sor.u32 s3, s4  }
0x6: {  	_ =	strace $0x80000047;
	s6 =	ssub.s32 $0x2, s3;
	s7 =	smul.u32 $0xA0, s4  }
0x7: {  	v0 =	vlaneseq.u32;
	s3 =	sadd.s32 $0x14E00, s5;
	s9 =	sshrl.u32 s6, $0x1;
	s4 =	sadd.s32 $0x15200, s5  }
0x8: {  	v1 =	vmul.u32 $0xA1, v0;
	s6 =	ssub.s32 s6, s9;
	s9 =	simm.s32 $0x2800;
	s8 =	sshrl.u32 s7, $0x3  }
0x9: {  	v4 =	vimm.f32 $0.0e+00;
	v5 =	vimm.s32 $0x40000000;
	s31 =	sadd.s32 $0xA0, s7;
	s6 =	smax.u32 s6, $0x1;
	s5 =	sadd.s32 s8, s5  }
0xa: {  	v6 =	vadd.s32 $0xA10, v1;
	v2 =	vmov s7;
	s7 =	simm.s32 $0x1;
	v3 =	vmov s31;
	s8 =	simm.s32 $0x1400;
	s5 =	sadd.s32 $0xE00, s5  }
.LBB2_1:
0xb: {  	[tilespmem:s2], [sflag:$0x1] =	stream.linear.gather [hbm4b:s3+s2], $0x1400, $0x38;
	[tilespmem:$0x5200] =	vst v63  }
0xc: {  	_ =	swait.ge [sflag:s7], $0x1400  }
0xd: {  	[sflag:s7] =	ssyncset.done $0x0  }
0xe: {  	[sflag:s7] =	ssyncadd.s32 $0xFFFFEC00  }
0xf: {  	[tilespmem:s8], [sflag:$0x1] =	stream.linear.gather [hbm4b:s4+s2], $0x1400, $0x38;
	[tilespmem:$0x5200] =	vst v63  }
0x10: {  	_ =	swait.ge [sflag:s7], $0x1400  }
0x11: {  	[sflag:s7] =	ssyncset.done $0x0  }
0x12: {  	s13 =	simm.s32 $0x0;
	s14 =	simm.s32 $0x100;
	[sflag:s7] =	ssyncadd.s32 $0xFFFFEC00  }
.LBB2_2:
0x13: {  	p0 =	sne.s32 s14, $0x5000;
	[tilespmem:s13+$0x3CB0] =	vst v5  }
0x14: {  	[tilespmem:s13+$0x2800] =	vst v4  }
0x15: {  	[tilespmem:s13+$0x3C80] =	vst v5  }
.Ltmp0:
0x16: {  	[tilespmem:s13+$0x2810] =	vst v4;
	(pc) =	sbr.rel @p0 .LBB2_2-.Ltmp0, $4  }
0x17: {  	[tilespmem:s13+$0x3C90] =	vst v5  }
0x18: {  	[tilespmem:s13+$0x2820] =	vst v4  }
0x19: {  	[tilespmem:s13+$0x3CA0] =	vst v5  }
0x1a: {  	[tilespmem:s13+$0x2830] =	vst v4;
	s13 =	sshra.s32 s14, $0x2;
	s14 =	sadd.s32 $0x100, s14  }
0x1b: {  	[tilespmem:s13+$0x3CB0] =	vst v5  }
0x1c: {  	[tilespmem:s13+$0x2800] =	vst v4  }
0x1d: {  	[tilespmem:s13+$0x3C80] =	vst v5  }
0x1e: {  	[tilespmem:s13+$0x2810] =	vst v4  }
0x1f: {  	[tilespmem:s13+$0x3C90] =	vst v5  }
0x20: {  	[tilespmem:s13+$0x2820] =	vst v4  }
0x21: {  	[tilespmem:s13+$0x3CA0] =	vst v5  }
0x22: {  	[tilespmem:s13+$0x2830] =	vst v4;
	s13 =	simm.s32 $0x10;
	s14 =	simm.s32 $0x1410;
	s15 =	simm.s32 $0x10  }
.LBB2_4:
0x23: {  	v7 =	vld [tilespmem:s14+$0xFFFFFFF0];
	_ =	sdelay $0x4  }
0x24: {  	v8 =	vsub.s32 v7, v2  }
0x25: {  	vm0 =	vgt.s32 v8, $0x0  }
0x26: {  	v8 =	vnsel vm0, $0x0, v8  }
0x27: {  	v8 =	vmin.u32 v8, $0x9F  }
0x28: {  	v8 =	vadd.s32 v1, v8;
	_ =	sdelay $0x1  }
0x29: {  	v9 =	vld [tilespmem:s13+$0xFFFFFFF0];
	_ =	sdelay $0x2  }
0x2a: {  	v10 =	vld.idx.msk [tilespmem:v8+s9+$0x0], $0xffff;
	_ =	sdelay $0x1  }
0x2b: {  	vm6 =	vgt.f32 v9, $3.000000120e-01  }
0x2c: {  	vm7 =	vge.s32 v7, v2;
	vm1 =	vlt.s32 v7, v3;
	v9 =	vnsel vm6, $0x0, v9;
	v7 =	vld.idx.msk [tilespmem:v8+s10+$0x0], $0xffff  }
0x2d: {  	vm0 =	vmand vm7, vm1;
	vm8 =	vgt.f32 v9, $0.0e+00  }
0x2e: {  	vm0 =	vmand vm0, vm8;
	vm9 =	vgt.f32 v9, v10  }
0x2f: {  	s16 =	sadd.s32 $0xFFFFFFF0, s15;
	vm0 =	vmand vm9, vm0  }
0x30: {  	v11 =	vor.u32 s16, v0;
	v9 =	vsel vm0, v9, v10  }
0x31: {  	v7 =	vsel vm0, v11, v7;
	[tilespmem:v8+s9+$0x0] =	vst.idx.msk $0xffff, v9  }
0x32: {  	[tilespmem:v8+s10+$0x0] =	vst.idx.msk $0xffff, v7  }
0x33: {  	v7 =	vld [tilespmem:s14+$0x0];
	_ =	sdelay $0x4  }
0x34: {  	v8 =	vsub.s32 v7, v2  }
0x35: {  	vm10 =	vgt.s32 v8, $0x0  }
0x36: {  	v8 =	vnsel vm10, $0x0, v8  }
0x37: {  	v8 =	vmin.u32 v8, $0x9F  }
0x38: {  	v8 =	vadd.s32 v6, v8;
	_ =	sdelay $0x1  }
0x39: {  	v9 =	vld [tilespmem:s13+$0x0];
	_ =	sdelay $0x2  }
0x3a: {  	v62 =	vld.idx.msk [tilespmem:v8+s9+$0x0], $0xffff;
	_ =	sdelay $0x1  }
0x3b: {  	vm11 =	vgt.f32 v9, $3.000000120e-01  }
0x3c: {  	vm12 =	vge.s32 v7, v2;
	vm13 =	vlt.s32 v7, v3;
	v9 =	vnsel vm11, $0x0, v9;
	v7 =	vld.idx.msk [tilespmem:v8+s10+$0x0], $0xffff  }
0x3d: {  	p0 =	sne.s32 s15, $0x13F0;
	vm0 =	vmand vm12, vm13;
	vm14 =	vgt.f32 v9, $0.0e+00  }
.Ltmp1:
0x3e: {  	vm0 =	vmand vm0, vm14;
	vm15 =	vgt.f32 v9, v62;
	(pc) =	sbr.rel @p0 .LBB2_4-.Ltmp1, $4  }
0x3f: {  	vm0 =	vmand vm15, vm0  }
0x40: {  	v63 =	vor.u32 s15, v0;
	v9 =	vsel vm0, v9, v62  }
0x41: {  	v7 =	vsel vm0, v63, v7;
	[tilespmem:v8+s9+$0x0] =	vst.idx.msk $0xffff, v9  }
0x42: {  	s15 =	sadd.s32 $0x20, s15;
	s13 =	sadd.s32 $0x20, s13;
	s14 =	sadd.s32 $0x20, s14;
	[tilespmem:v8+s10+$0x0] =	vst.idx.msk $0xffff, v7  }
0x43: {  	s14 =	simm.s32 $0x0  }
0x44: {  	v7 =	vld [tilespmem:s14+$0x2800]  }
0x45: {  	v8 =	vld [tilespmem:s14+$0x28A1]  }
0x46: {  	v9 =	vld [tilespmem:s14+$0x3C80]  }
0x47: {  	v10 =	vld [tilespmem:s14+$0x3D21];
	_ =	sdelay $0x2  }
0x48: {  	v11 =	vld [tilespmem:s14+$0x2942]  }
0x49: {  	v12 =	vld [tilespmem:s14+$0x3DC2]  }
0x4a: {  	vm0 =	veq.f32 v8, v7;
	vm1 =	vlt.s32 v10, v9  }
0x4b: {  	vm2 =	vgt.f32 v8, v7;
	vm0 =	vmand vm0, vm1  }
0x4c: {  	v13 =	vld [tilespmem:s14+$0x29E3];
	vm0 =	vmor vm2, vm0  }
0x4d: {  	v7 =	vsel vm0, v8, v7;
	v8 =	vsel vm0, v10, v9;
	v9 =	vld [tilespmem:s14+$0x3E63]  }
0x4e: {  	vm0 =	veq.f32 v11, v7;
	vm1 =	vlt.s32 v12, v8  }
0x4f: {  	vm2 =	vgt.f32 v11, v7;
	vm0 =	vmand vm0, vm1  }
0x50: {  	v10 =	vld [tilespmem:s14+$0x2A84];
	vm0 =	vmor vm2, vm0  }
0x51: {  	v7 =	vsel vm0, v11, v7;
	v8 =	vsel vm0, v12, v8;
	v11 =	vld [tilespmem:s14+$0x3F04]  }
0x52: {  	vm0 =	veq.f32 v13, v7;
	vm1 =	vlt.s32 v9, v8  }
0x53: {  	vm2 =	vgt.f32 v13, v7;
	vm0 =	vmand vm0, vm1  }
0x54: {  	v12 =	vld [tilespmem:s14+$0x2B25];
	vm0 =	vmor vm2, vm0  }
0x55: {  	v7 =	vsel vm0, v13, v7;
	v8 =	vsel vm0, v9, v8;
	v9 =	vld [tilespmem:s14+$0x3FA5]  }
0x56: {  	vm0 =	veq.f32 v10, v7;
	vm1 =	vlt.s32 v11, v8  }
0x57: {  	vm2 =	vgt.f32 v10, v7;
	vm0 =	vmand vm0, vm1  }
0x58: {  	v13 =	vld [tilespmem:s14+$0x2BC6];
	vm0 =	vmor vm2, vm0  }
0x59: {  	v7 =	vsel vm0, v10, v7;
	v8 =	vsel vm0, v11, v8;
	v10 =	vld [tilespmem:s14+$0x4046]  }
0x5a: {  	vm0 =	veq.f32 v12, v7;
	vm1 =	vlt.s32 v9, v8  }
0x5b: {  	vm2 =	vgt.f32 v12, v7;
	vm0 =	vmand vm0, vm1  }
0x5c: {  	v11 =	vld [tilespmem:s14+$0x2C67];
	vm0 =	vmor vm2, vm0  }
0x5d: {  	v7 =	vsel vm0, v12, v7;
	v8 =	vsel vm0, v9, v8;
	v9 =	vld [tilespmem:s14+$0x40E7]  }
0x5e: {  	vm0 =	veq.f32 v13, v7;
	vm1 =	vlt.s32 v10, v8  }
0x5f: {  	vm2 =	vgt.f32 v13, v7;
	vm0 =	vmand vm0, vm1  }
0x60: {  	v12 =	vld [tilespmem:s14+$0x2D08];
	vm0 =	vmor vm2, vm0  }
0x61: {  	v7 =	vsel vm0, v13, v7;
	v8 =	vsel vm0, v10, v8;
	v10 =	vld [tilespmem:s14+$0x4188]  }
0x62: {  	vm0 =	veq.f32 v11, v7;
	vm1 =	vlt.s32 v9, v8  }
0x63: {  	vm2 =	vgt.f32 v11, v7;
	vm0 =	vmand vm0, vm1  }
0x64: {  	v13 =	vld [tilespmem:s14+$0x2DA9];
	vm0 =	vmor vm2, vm0  }
0x65: {  	v7 =	vsel vm0, v11, v7;
	v8 =	vsel vm0, v9, v8;
	v9 =	vld [tilespmem:s14+$0x4229]  }
0x66: {  	vm0 =	veq.f32 v12, v7;
	vm1 =	vlt.s32 v10, v8  }
0x67: {  	vm2 =	vgt.f32 v12, v7;
	vm0 =	vmand vm0, vm1  }
0x68: {  	v11 =	vld [tilespmem:s14+$0x2E4A];
	vm0 =	vmor vm2, vm0  }
0x69: {  	v7 =	vsel vm0, v12, v7;
	v8 =	vsel vm0, v10, v8;
	v10 =	vld [tilespmem:s14+$0x42CA]  }
0x6a: {  	vm0 =	veq.f32 v13, v7;
	vm1 =	vlt.s32 v9, v8  }
0x6b: {  	vm2 =	vgt.f32 v13, v7;
	vm0 =	vmand vm0, vm1  }
0x6c: {  	v12 =	vld [tilespmem:s14+$0x2EEB];
	vm0 =	vmor vm2, vm0  }
0x6d: {  	v7 =	vsel vm0, v13, v7;
	v8 =	vsel vm0, v9, v8;
	v9 =	vld [tilespmem:s14+$0x436B]  }
0x6e: {  	vm0 =	veq.f32 v11, v7;
	vm1 =	vlt.s32 v10, v8  }
0x6f: {  	s13 =	simm.s32 $0x10;
	v14 =	vld [tilespmem:s14+$0x2F8C];
	vm2 =	vgt.f32 v11, v7;
	vm0 =	vmand vm0, vm1  }
0x70: {  	v15 =	vld [tilespmem:s13+$0x3C80];
	vm0 =	vmor vm2, vm0  }
0x71: {  	v7 =	vsel vm0, v11, v7;
	v8 =	vsel vm0, v10, v8;
	v10 =	vld [tilespmem:s14+$0x440C]  }
0x72: {  	v16 =	vld [tilespmem:s14+$0x302D];
	vm0 =	veq.f32 v12, v7;
	vm1 =	vlt.s32 v9, v8  }
0x73: {  	v13 =	vld [tilespmem:s13+$0x2800];
	vm2 =	vgt.f32 v12, v7;
	vm0 =	vmand vm0, vm1  }
0x74: {  	v11 =	vld [tilespmem:s13+$0x28A1];
	vm0 =	vmor vm2, vm0  }
0x75: {  	v7 =	vsel vm0, v12, v7;
	v8 =	vsel vm0, v9, v8;
	v9 =	vld [tilespmem:s14+$0x44AD]  }
0x76: {  	v12 =	vld [tilespmem:s13+$0x3D21];
	vm0 =	veq.f32 v14, v7;
	vm1 =	vlt.s32 v10, v8  }
0x77: {  	vm2 =	vgt.f32 v14, v7;
	vm0 =	vmand vm0, vm1  }
0x78: {  	v17 =	vld [tilespmem:s14+$0x30CE];
	vm0 =	vmor vm2, vm0  }
0x79: {  	v7 =	vsel vm0, v14, v7;
	v8 =	vsel vm0, v10, v8;
	v10 =	vld [tilespmem:s14+$0x454E]  }
0x7a: {  	v18 =	vld [tilespmem:s13+$0x2942];
	vm0 =	veq.f32 v11, v13;
	vm1 =	veq.f32 v16, v7;
	vm2 =	vlt.s32 v9, v8  }
0x7b: {  	v19 =	vld [tilespmem:s13+$0x3DC2];
	vm3 =	vlt.s32 v12, v15;
	vm4 =	vgt.f32 v16, v7;
	vm1 =	vmand vm1, vm2  }
0x7c: {  	v14 =	vld [tilespmem:s14+$0x316F];
	vm2 =	vgt.f32 v11, v13;
	vm0 =	vmand vm0, vm3;
	vm1 =	vmor vm4, vm1  }
0x7d: {  	vm0 =	vmor vm2, vm0;
	v7 =	vsel vm1, v16, v7;
	v8 =	vsel vm1, v9, v8;
	v9 =	vld [tilespmem:s14+$0x45EF]  }
0x7e: {  	v11 =	vsel vm0, v11, v13;
	vm1 =	veq.f32 v17, v7;
	vm2 =	vlt.s32 v10, v8  }
0x7f: {  	v12 =	vsel vm0, v12, v15;
	v13 =	vld [tilespmem:s14+$0x3210];
	vm0 =	vgt.f32 v17, v7;
	vm1 =	vmand vm1, vm2  }
0x80: {  	v15 =	vld [tilespmem:s14+$0x4690];
	vm3 =	veq.f32 v18, v11;
	vm2 =	vgt.f32 v18, v11;
	vm0 =	vmor vm0, vm1  }
0x81: {  	v16 =	vld [tilespmem:s13+$0x29E3];
	vm1 =	vlt.s32 v19, v12;
	v7 =	vsel vm0, v17, v7;
	v8 =	vsel vm0, v10, v8  }
0x82: {  	vm0 =	vmand vm3, vm1;
	v10 =	vld [tilespmem:s13+$0x3E63];
	vm1 =	veq.f32 v14, v7;
	vm3 =	vlt.s32 v9, v8  }
0x83: {  	vm0 =	vmor vm2, vm0;
	vm2 =	vgt.f32 v14, v7;
	vm1 =	vmand vm1, vm3  }
0x84: {  	v17 =	vld [tilespmem:s14+$0x32B1];
	v11 =	vsel vm0, v18, v11;
	vm1 =	vmor vm2, vm1  }
0x85: {  	v18 =	vsel vm0, v19, v12;
	v19 =	vld [tilespmem:s14+$0x4731];
	v7 =	vsel vm1, v14, v7;
	v14 =	vsel vm1, v9, v8  }
0x86: {  	v12 =	vld [tilespmem:s13+$0x3F04];
	vm0 =	veq.f32 v16, v11;
	vm1 =	veq.f32 v13, v7;
	vm2 =	vlt.s32 v15, v14  }
0x87: {  	v9 =	vld [tilespmem:s13+$0x2A84];
	vm3 =	vlt.s32 v10, v18;
	vm15 =	vgt.f32 v13, v7;
	vm1 =	vmand vm1, vm2  }
0x88: {  	v8 =	vld [tilespmem:s14+$0x3352];
	vm2 =	vgt.f32 v16, v11;
	vm0 =	vmand vm0, vm3;
	vm1 =	vmor vm15, vm1  }
0x89: {  	vm0 =	vmor vm2, vm0;
	v20 =	vsel vm1, v13, v7;
	v21 =	vsel vm1, v15, v14;
	v13 =	vld [tilespmem:s14+$0x47D2]  }
0x8a: {  	v14 =	vsel vm0, v16, v11;
	vm1 =	veq.f32 v17, v20;
	vm2 =	vlt.s32 v19, v21  }
0x8b: {  	v15 =	vsel vm0, v10, v18;
	v7 =	vld [tilespmem:s14+$0x33F3];
	vm3 =	vgt.f32 v17, v20;
	vm2 =	vmand vm1, vm2  }
0x8c: {  	v11 =	vld [tilespmem:s14+$0x4873];
	vm0 =	vgt.f32 v9, v14;
	vm1 =	veq.f32 v9, v14;
	vm3 =	vmor vm3, vm2  }
0x8d: {  	s15 =	simm.s32 $0x80;
	v10 =	vld [tilespmem:s13+$0x2B25];
	vm2 =	vlt.s32 v12, v15;
	v16 =	vsel vm3, v17, v20;
	v17 =	vsel vm3, v19, v21  }
.LBB2_6:
0x8e: {  	p0 =	sne.s32 s15, $0x240;
	vm1 =	vmand vm1, vm2;
	v18 =	vld [tilespmem:s13+$0x3FA5];
	vm2 =	veq.f32 v8, v16;
	vm3 =	vlt.s32 v13, v17  }
0x8f: {  	vm0 =	vmor vm0, vm1;
	vm1 =	vgt.f32 v8, v16;
	vm2 =	vmand vm2, vm3  }
0x90: {  	v9 =	vsel vm0, v9, v14;
	vm1 =	vmor vm1, vm2;
	v14 =	vld [tilespmem:s14+$0x3494]  }
0x91: {  	v12 =	vsel vm0, v12, v15;
	v8 =	vsel vm1, v8, v16;
	v13 =	vsel vm1, v13, v17;
	v15 =	vld [tilespmem:s14+$0x4914]  }
0x92: {  	vm0 =	veq.f32 v10, v9;
	vm1 =	veq.f32 v7, v8;
	vm2 =	vlt.s32 v11, v13;
	v16 =	vld [tilespmem:s14+$0x3535]  }
0x93: {  	vm4 =	vgt.f32 v7, v8;
	vm3 =	vlt.s32 v18, v12;
	v17 =	vld [tilespmem:s13+$0x2BC6];
	vm1 =	vmand vm1, vm2  }
0x94: {  	vm2 =	vgt.f32 v10, v9;
	vm0 =	vmand vm0, vm3;
	v19 =	vld [tilespmem:s13+$0x4046];
	vm1 =	vmor vm4, vm1  }
0x95: {  	vm0 =	vmor vm2, vm0;
	v7 =	vsel vm1, v7, v8;
	v8 =	vsel vm1, v11, v13;
	v11 =	vld [tilespmem:s14+$0x49B5]  }
0x96: {  	v9 =	vsel vm0, v10, v9;
	vm1 =	veq.f32 v14, v7;
	vm2 =	vlt.s32 v15, v8  }
0x97: {  	v10 =	vsel vm0, v18, v12;
	vm0 =	vgt.f32 v14, v7;
	vm1 =	vmand vm1, vm2;
	v12 =	vld [tilespmem:s14+$0x35D6]  }
0x98: {  	vm2 =	vgt.f32 v17, v9;
	vm3 =	veq.f32 v17, v9;
	vm0 =	vmor vm0, vm1;
	v13 =	vld [tilespmem:s14+$0x4A56]  }
0x99: {  	vm1 =	vlt.s32 v19, v10;
	v18 =	vld [tilespmem:s13+$0x2C67];
	v7 =	vsel vm0, v14, v7;
	v8 =	vsel vm0, v15, v8  }
0x9a: {  	vm0 =	vmand vm3, vm1;
	v14 =	vld [tilespmem:s13+$0x40E7];
	vm1 =	veq.f32 v16, v7;
	vm3 =	vlt.s32 v11, v8  }
0x9b: {  	vm0 =	vmor vm2, vm0;
	vm2 =	vgt.f32 v16, v7;
	vm1 =	vmand vm1, vm3;
	v15 =	vld [tilespmem:s14+$0x37B9]  }
0x9c: {  	v9 =	vsel vm0, v17, v9;
	vm1 =	vmor vm2, vm1;
	v17 =	vld [tilespmem:s14+$0x3677]  }
0x9d: {  	v10 =	vsel vm0, v19, v10;
	v7 =	vsel vm1, v16, v7;
	v8 =	vsel vm1, v11, v8;
	v11 =	vld [tilespmem:s14+$0x4AF7]  }
0x9e: {  	vm0 =	veq.f32 v18, v9;
	vm1 =	veq.f32 v12, v7;
	vm2 =	vlt.s32 v13, v8;
	v16 =	vld [tilespmem:s14+$0x3718]  }
0x9f: {  	vm4 =	vgt.f32 v12, v7;
	vm3 =	vlt.s32 v14, v10;
	v19 =	vld [tilespmem:s13+$0x2D08];
	vm1 =	vmand vm1, vm2  }
0xa0: {  	vm2 =	vgt.f32 v18, v9;
	vm0 =	vmand vm0, vm3;
	v20 =	vld [tilespmem:s13+$0x4188];
	vm1 =	vmor vm4, vm1  }
0xa1: {  	s16 =	sshra.s32 s15, $0x2;
	vm0 =	vmor vm2, vm0;
	v12 =	vsel vm1, v12, v7;
	v13 =	vsel vm1, v13, v8;
	v21 =	vld [tilespmem:s14+$0x4B98]  }
0xa2: {  	v7 =	vld [tilespmem:s16+$0x2800];
	v9 =	vsel vm0, v18, v9;
	vm1 =	veq.f32 v17, v12;
	vm2 =	vlt.s32 v11, v13  }
0xa3: {  	v10 =	vsel vm0, v14, v10;
	vm0 =	vgt.f32 v17, v12;
	v8 =	vld [tilespmem:s16+$0x28A1];
	vm1 =	vmand vm1, vm2  }
0xa4: {  	vm2 =	vgt.f32 v19, v9;
	vm3 =	veq.f32 v19, v9;
	vm0 =	vmor vm0, vm1;
	v14 =	vld [tilespmem:s14+$0x4C39]  }
0xa5: {  	vm1 =	vlt.s32 v20, v10;
	v18 =	vld [tilespmem:s13+$0x2DA9];
	v12 =	vsel vm0, v17, v12;
	v11 =	vsel vm0, v11, v13  }
0xa6: {  	vm0 =	vmand vm3, vm1;
	v13 =	vld [tilespmem:s13+$0x4229];
	vm1 =	veq.f32 v16, v12;
	vm3 =	vlt.s32 v21, v11  }
0xa7: {  	vm4 =	vgt.f32 v16, v12;
	vm2 =	vmor vm2, vm0;
	vm1 =	vmand vm1, vm3  }
0xa8: {  	vm0 =	vgt.f32 v8, v7;
	v9 =	vsel vm2, v19, v9;
	vm1 =	vmor vm4, vm1;
	v17 =	vld [tilespmem:s14+$0x385A]  }
0xa9: {  	v10 =	vsel vm2, v20, v10;
	v12 =	vsel vm1, v16, v12;
	v11 =	vsel vm1, v21, v11;
	v16 =	vld [tilespmem:s14+$0x4CDA]  }
0xaa: {  	vm1 =	veq.f32 v18, v9;
	vm2 =	veq.f32 v15, v12;
	vm3 =	vlt.s32 v14, v11;
	v19 =	vld [tilespmem:s14+$0x38FB]  }
0xab: {  	vm5 =	vgt.f32 v15, v12;
	vm4 =	vlt.s32 v13, v10;
	v20 =	vld [tilespmem:s13+$0x2E4A];
	vm2 =	vmand vm2, vm3  }
0xac: {  	vm3 =	vgt.f32 v18, v9;
	vm1 =	vmand vm1, vm4;
	v21 =	vld [tilespmem:s13+$0x42CA];
	vm2 =	vmor vm5, vm2  }
0xad: {  	vm1 =	vmor vm3, vm1;
	v12 =	vsel vm2, v15, v12;
	v11 =	vsel vm2, v14, v11;
	v14 =	vld [tilespmem:s14+$0x4D7B]  }
0xae: {  	v9 =	vsel vm1, v18, v9;
	vm2 =	veq.f32 v17, v12;
	vm3 =	vlt.s32 v16, v11  }
0xaf: {  	v10 =	vsel vm1, v13, v10;
	vm1 =	vgt.f32 v17, v12;
	vm2 =	vmand vm2, vm3;
	v13 =	vld [tilespmem:s14+$0x399C]  }
0xb0: {  	vm3 =	vgt.f32 v20, v9;
	vm4 =	veq.f32 v20, v9;
	vm1 =	vmor vm1, vm2;
	v15 =	vld [tilespmem:s14+$0x4E1C]  }
0xb1: {  	vm2 =	vlt.s32 v21, v10;
	v18 =	vld [tilespmem:s13+$0x2EEB];
	v12 =	vsel vm1, v17, v12;
	v11 =	vsel vm1, v16, v11  }
0xb2: {  	vm1 =	vmand vm4, vm2;
	v16 =	vld [tilespmem:s13+$0x436B];
	vm2 =	veq.f32 v19, v12;
	vm4 =	vlt.s32 v14, v11  }
0xb3: {  	vm5 =	vgt.f32 v19, v12;
	vm3 =	vmor vm3, vm1;
	vm2 =	vmand vm2, vm4;
	v17 =	vld [tilespmem:s14+$0x3B7F]  }
0xb4: {  	vm1 =	veq.f32 v8, v7;
	v9 =	vsel vm3, v20, v9;
	vm2 =	vmor vm5, vm2;
	v20 =	vld [tilespmem:s14+$0x3A3D]  }
0xb5: {  	v10 =	vsel vm3, v21, v10;
	v12 =	vsel vm2, v19, v12;
	v11 =	vsel vm2, v14, v11;
	v14 =	vld [tilespmem:s14+$0x4EBD]  }
0xb6: {  	vm2 =	veq.f32 v18, v9;
	vm3 =	veq.f32 v13, v12;
	vm4 =	vlt.s32 v15, v11;
	v19 =	vld [tilespmem:s14+$0x3ADE]  }
0xb7: {  	vm6 =	vgt.f32 v13, v12;
	vm5 =	vlt.s32 v16, v10;
	v21 =	vld [tilespmem:s13+$0x2F8C];
	vm3 =	vmand vm3, vm4  }
0xb8: {  	vm4 =	vgt.f32 v18, v9;
	vm2 =	vmand vm2, vm5;
	v22 =	vld [tilespmem:s13+$0x440C];
	vm3 =	vmor vm6, vm3  }
0xb9: {  	vm2 =	vmor vm4, vm2;
	v12 =	vsel vm3, v13, v12;
	v11 =	vsel vm3, v15, v11;
	v13 =	vld [tilespmem:s14+$0x4F5E]  }
0xba: {  	v15 =	vld [tilespmem:s16+$0x3C80];
	v9 =	vsel vm2, v18, v9;
	vm3 =	veq.f32 v20, v12;
	vm4 =	vlt.s32 v14, v11  }
0xbb: {  	v10 =	vsel vm2, v16, v10;
	vm2 =	vgt.f32 v20, v12;
	v18 =	vld [tilespmem:s16+$0x3D21];
	vm3 =	vmand vm3, vm4  }
0xbc: {  	vm4 =	vgt.f32 v21, v9;
	vm5 =	veq.f32 v21, v9;
	vm2 =	vmor vm2, vm3;
	v16 =	vld [tilespmem:s14+$0x4FFF]  }
0xbd: {  	vm3 =	vlt.s32 v22, v10;
	v23 =	vld [tilespmem:s13+$0x302D];
	v12 =	vsel vm2, v20, v12;
	v11 =	vsel vm2, v14, v11  }
0xbe: {  	vm2 =	vmand vm5, vm3;
	v14 =	vld [tilespmem:s13+$0x44AD];
	vm3 =	veq.f32 v19, v12;
	vm5 =	vlt.s32 v13, v11  }
0xbf: {  	vm2 =	vmor vm4, vm2;
	vm4 =	vgt.f32 v19, v12;
	vm3 =	vmand vm3, vm5  }
0xc0: {  	vm5 =	vlt.s32 v18, v15;
	v9 =	vsel vm2, v21, v9;
	vm3 =	vmor vm4, vm3  }
0xc1: {  	v10 =	vsel vm2, v22, v10;
	v20 =	vld [tilespmem:s13+$0x30CE];
	v12 =	vsel vm3, v19, v12;
	v11 =	vsel vm3, v13, v11  }
0xc2: {  	vm2 =	veq.f32 v23, v9;
	v13 =	vld [tilespmem:s13+$0x454E];
	vm3 =	veq.f32 v17, v12;
	vm4 =	vlt.s32 v16, v11  }
0xc3: {  	vm7 =	vgt.f32 v17, v12;
	vm6 =	vlt.s32 v14, v10;
	v19 =	vld [tilespmem:s13+$0x316F];
	vm3 =	vmand vm3, vm4  }
0xc4: {  	vm4 =	vgt.f32 v23, v9;
	v12 =	vld [tilespmem:s16+$0x2942];
	vm2 =	vmand vm2, vm6;
	vm3 =	vmor vm7, vm3  }
0xc5: {  	vm1 =	vmand vm1, vm5;
	v17 =	vld [tilespmem:s16+$0x3DC2];
	vm2 =	vmor vm4, vm2;
	v11 =	vsel vm3, v16, v11  }
0xc6: {  	vm0 =	vmor vm0, vm1;
	v9 =	vsel vm2, v23, v9;
	v10 =	vsel vm2, v14, v10;
	v14 =	vld [tilespmem:s13+$0x45EF];
	[tilespmem:s14+$0x5100] =	vst v11;
	s14 =	smov.u32 s13;
	s13 =	smov.u32 s16  }
0xc7: {  	v7 =	vsel vm0, v8, v7;
	vm1 =	veq.f32 v20, v9;
	vm2 =	vlt.s32 v13, v10  }
0xc8: {  	v8 =	vsel vm0, v18, v15;
	vm0 =	vgt.f32 v20, v9;
	vm1 =	vmand vm1, vm2;
	v11 =	vld [tilespmem:s14+$0x3210]  }
0xc9: {  	vm2 =	vgt.f32 v12, v7;
	vm3 =	veq.f32 v12, v7;
	vm0 =	vmor vm0, vm1;
	v15 =	vld [tilespmem:s14+$0x4690]  }
0xca: {  	vm1 =	vlt.s32 v17, v8;
	v16 =	vld [tilespmem:s13+$0x29E3];
	v9 =	vsel vm0, v20, v9;
	v10 =	vsel vm0, v13, v10  }
0xcb: {  	vm0 =	vmand vm3, vm1;
	v18 =	vld [tilespmem:s13+$0x3E63];
	vm1 =	veq.f32 v19, v9;
	vm3 =	vlt.s32 v14, v10  }
0xcc: {  	vm0 =	vmor vm2, vm0;
	vm2 =	vgt.f32 v19, v9;
	vm1 =	vmand vm1, vm3  }
0xcd: {  	v7 =	vsel vm0, v12, v7;
	vm1 =	vmor vm2, vm1;
	v20 =	vld [tilespmem:s14+$0x32B1]  }
0xce: {  	v17 =	vsel vm0, v17, v8;
	v13 =	vsel vm1, v19, v9;
	v10 =	vsel vm1, v14, v10;
	v19 =	vld [tilespmem:s14+$0x4731]  }
0xcf: {  	vm0 =	veq.f32 v16, v7;
	vm1 =	veq.f32 v11, v13;
	vm2 =	vlt.s32 v15, v10;
	v8 =	vld [tilespmem:s14+$0x3352]  }
0xd0: {  	vm4 =	vgt.f32 v11, v13;
	vm3 =	vlt.s32 v18, v17;
	v9 =	vld [tilespmem:s13+$0x2A84];
	vm1 =	vmand vm1, vm2  }
0xd1: {  	vm2 =	vgt.f32 v16, v7;
	vm0 =	vmand vm0, vm3;
	v12 =	vld [tilespmem:s13+$0x3F04];
	vm1 =	vmor vm4, vm1  }
.Ltmp2:
0xd2: {  	vm0 =	vmor vm2, vm0;
	v21 =	vsel vm1, v11, v13;
	v22 =	vsel vm1, v15, v10;
	v13 =	vld [tilespmem:s14+$0x47D2];
	(pc) =	sbr.rel @p0 .LBB2_6-.Ltmp2, $4  }
0xd3: {  	v14 =	vsel vm0, v16, v7;
	vm1 =	veq.f32 v20, v21;
	vm2 =	vlt.s32 v19, v22  }
0xd4: {  	v15 =	vsel vm0, v18, v17;
	vm3 =	vgt.f32 v20, v21;
	vm2 =	vmand vm1, vm2;
	v7 =	vld [tilespmem:s14+$0x33F3]  }
0xd5: {  	vm0 =	vgt.f32 v9, v14;
	vm1 =	veq.f32 v9, v14;
	vm3 =	vmor vm3, vm2;
	v11 =	vld [tilespmem:s14+$0x4873]  }
0xd6: {  	s15 =	sadd.s32 $0x40, s15;
	vm2 =	vlt.s32 v12, v15;
	v10 =	vld [tilespmem:s13+$0x2B25];
	v16 =	vsel vm3, v20, v21;
	v17 =	vsel vm3, v19, v22  }
0xd7: {  	vm1 =	vmand vm1, vm2;
	v18 =	vld [tilespmem:s13+$0x3FA5];
	vm6 =	veq.f32 v8, v16;
	vm3 =	vlt.s32 v13, v17  }
0xd8: {  	vm7 =	vgt.f32 v8, v16;
	vm0 =	vmor vm0, vm1;
	vm2 =	vmand vm6, vm3  }
0xd9: {  	v30 =	vld [tilespmem:s14+$0x3494];
	v9 =	vsel vm0, v9, v14;
	vm1 =	vmor vm7, vm2  }
0xda: {  	v32 =	vld [tilespmem:s14+$0x4914];
	v12 =	vsel vm0, v12, v15;
	v8 =	vsel vm1, v8, v16;
	v31 =	vsel vm1, v13, v17  }
0xdb: {  	v34 =	vld [tilespmem:s13+$0x2BC6];
	vm8 =	veq.f32 v10, v9;
	vm9 =	veq.f32 v7, v8;
	vm10 =	vlt.s32 v11, v31  }
0xdc: {  	v19 =	vld [tilespmem:s13+$0x4046];
	vm4 =	vgt.f32 v7, v8;
	vm11 =	vlt.s32 v18, v12;
	vm1 =	vmand vm9, vm10  }
0xdd: {  	vm12 =	vgt.f32 v10, v9;
	vm0 =	vmand vm8, vm11;
	vm1 =	vmor vm4, vm1  }
0xde: {  	v33 =	vld [tilespmem:s14+$0x3535];
	vm0 =	vmor vm12, vm0;
	v7 =	vsel vm1, v7, v8  }
0xdf: {  	v35 =	vld [tilespmem:s14+$0x49B5];
	v8 =	vsel vm1, v11, v31;
	v9 =	vsel vm0, v10, v9;
	vm13 =	veq.f32 v30, v7  }
0xe0: {  	v39 =	vld [tilespmem:s13+$0x2C67];
	vm14 =	vlt.s32 v32, v8;
	v36 =	vsel vm0, v18, v12;
	vm15 =	vgt.f32 v30, v7  }
0xe1: {  	v40 =	vld [tilespmem:s13+$0x40E7];
	vm1 =	vmand vm13, vm14;
	vm7 =	veq.f32 v34, v9;
	vm8 =	vlt.s32 v19, v36  }
0xe2: {  	v37 =	vld [tilespmem:s14+$0x35D6];
	vm6 =	vgt.f32 v34, v9;
	vm0 =	vmor vm15, vm1;
	vm9 =	vmand vm7, vm8  }
0xe3: {  	v38 =	vld [tilespmem:s14+$0x4A56];
	v7 =	vsel vm0, v30, v7;
	v8 =	vsel vm0, v32, v8;
	vm0 =	vmor vm6, vm9  }
0xe4: {  	vm10 =	veq.f32 v33, v7;
	vm11 =	vlt.s32 v35, v8;
	vm12 =	vgt.f32 v33, v7  }
0xe5: {  	v41 =	vld [tilespmem:s14+$0x3677];
	v9 =	vsel vm0, v34, v9;
	v10 =	vsel vm0, v19, v36;
	vm1 =	vmand vm10, vm11  }
0xe6: {  	v42 =	vld [tilespmem:s14+$0x4AF7];
	vm13 =	veq.f32 v39, v9;
	vm8 =	vlt.s32 v40, v10;
	vm1 =	vmor vm12, vm1  }
0xe7: {  	v44 =	vld [tilespmem:s13+$0x2D08];
	vm10 =	vgt.f32 v39, v9;
	v7 =	vsel vm1, v33, v7;
	v8 =	vsel vm1, v35, v8  }
0xe8: {  	v45 =	vld [tilespmem:s13+$0x4188];
	vm0 =	vmand vm13, vm8;
	vm14 =	veq.f32 v37, v7;
	vm15 =	vlt.s32 v38, v8  }
0xe9: {  	vm0 =	vmor vm10, vm0;
	vm9 =	vgt.f32 v37, v7;
	vm1 =	vmand vm14, vm15  }
0xea: {  	v43 =	vld [tilespmem:s14+$0x3718];
	v9 =	vsel vm0, v39, v9;
	vm1 =	vmor vm9, vm1  }
0xeb: {  	v46 =	vld [tilespmem:s14+$0x4B98];
	v10 =	vsel vm0, v40, v10;
	v7 =	vsel vm1, v37, v7;
	v8 =	vsel vm1, v38, v8  }
0xec: {  	v49 =	vld [tilespmem:s13+$0x2DA9];
	vm15 =	veq.f32 v44, v9;
	vm11 =	veq.f32 v41, v7;
	vm12 =	vlt.s32 v42, v8  }
0xed: {  	v50 =	vld [tilespmem:s13+$0x4229];
	vm5 =	vlt.s32 v45, v10;
	vm13 =	vgt.f32 v41, v7;
	vm1 =	vmand vm11, vm12  }
0xee: {  	v47 =	vld [tilespmem:s14+$0x37B9];
	vm14 =	vgt.f32 v44, v9;
	vm6 =	vmand vm15, vm5;
	vm0 =	vmor vm13, vm1  }
0xef: {  	v48 =	vld [tilespmem:s14+$0x4C39];
	v7 =	vsel vm0, v41, v7;
	v8 =	vsel vm0, v42, v8;
	vm0 =	vmor vm14, vm6  }
0xf0: {  	vm7 =	veq.f32 v43, v7;
	vm8 =	vlt.s32 v46, v8;
	vm9 =	vgt.f32 v43, v7  }
0xf1: {  	v51 =	vld [tilespmem:s14+$0x385A];
	v9 =	vsel vm0, v44, v9;
	v10 =	vsel vm0, v45, v10;
	vm1 =	vmand vm7, vm8  }
0xf2: {  	v52 =	vld [tilespmem:s14+$0x4CDA];
	vm10 =	veq.f32 v49, v9;
	vm13 =	vlt.s32 v50, v10;
	vm1 =	vmor vm9, vm1  }
0xf3: {  	v54 =	vld [tilespmem:s13+$0x2E4A];
	vm15 =	vgt.f32 v49, v9;
	v7 =	vsel vm1, v43, v7;
	v8 =	vsel vm1, v46, v8  }
0xf4: {  	v55 =	vld [tilespmem:s13+$0x42CA];
	vm0 =	vmand vm10, vm13;
	vm11 =	veq.f32 v47, v7;
	vm12 =	vlt.s32 v48, v8  }
0xf5: {  	vm0 =	vmor vm15, vm0;
	vm14 =	vgt.f32 v47, v7;
	vm1 =	vmand vm11, vm12  }
0xf6: {  	v53 =	vld [tilespmem:s14+$0x38FB];
	v9 =	vsel vm0, v49, v9;
	vm1 =	vmor vm14, vm1  }
0xf7: {  	v56 =	vld [tilespmem:s14+$0x4D7B];
	v10 =	vsel vm0, v50, v10;
	v7 =	vsel vm1, v47, v7;
	v8 =	vsel vm1, v48, v8  }
0xf8: {  	v59 =	vld [tilespmem:s13+$0x2EEB];
	vm8 =	veq.f32 v54, v9;
	vm4 =	veq.f32 v51, v7;
	vm5 =	vlt.s32 v52, v8  }
0xf9: {  	v60 =	vld [tilespmem:s13+$0x436B];
	vm9 =	vlt.s32 v55, v10;
	vm6 =	vgt.f32 v51, v7;
	vm1 =	vmand vm4, vm5  }
0xfa: {  	v57 =	vld [tilespmem:s14+$0x399C];
	vm7 =	vgt.f32 v54, v9;
	vm10 =	vmand vm8, vm9;
	vm0 =	vmor vm6, vm1  }
0xfb: {  	v58 =	vld [tilespmem:s14+$0x4E1C];
	v7 =	vsel vm0, v51, v7;
	v8 =	vsel vm0, v52, v8;
	vm0 =	vmor vm7, vm10  }
0xfc: {  	vm11 =	veq.f32 v53, v7;
	vm12 =	vlt.s32 v56, v8;
	vm13 =	vgt.f32 v53, v7  }
0xfd: {  	v61 =	vld [tilespmem:s14+$0x3A3D];
	v9 =	vsel vm0, v54, v9;
	v10 =	vsel vm0, v55, v10;
	vm1 =	vmand vm11, vm12  }
0xfe: {  	v62 =	vld [tilespmem:s14+$0x4EBD];
	vm14 =	veq.f32 v59, v9;
	vm9 =	vlt.s32 v60, v10;
	vm1 =	vmor vm13, vm1  }
0xff: {  	v21 =	vld [tilespmem:s13+$0x2F8C];
	vm11 =	vgt.f32 v59, v9;
	v7 =	vsel vm1, v53, v7;
	v8 =	vsel vm1, v56, v8  }
0x100: {  	v22 =	vld [tilespmem:s13+$0x440C];
	vm0 =	vmand vm14, vm9;
	vm15 =	veq.f32 v57, v7;
	vm8 =	vlt.s32 v58, v8  }
0x101: {  	vm0 =	vmor vm11, vm0;
	vm10 =	vgt.f32 v57, v7;
	vm1 =	vmand vm15, vm8  }
0x102: {  	v63 =	vld [tilespmem:s14+$0x3ADE];
	v9 =	vsel vm0, v59, v9;
	vm1 =	vmor vm10, vm1  }
0x103: {  	v23 =	vld [tilespmem:s14+$0x4F5E];
	v10 =	vsel vm0, v60, v10;
	v7 =	vsel vm1, v57, v7;
	v8 =	vsel vm1, v58, v8  }
0x104: {  	v25 =	vld [tilespmem:s13+$0x302D];
	vm6 =	veq.f32 v21, v9;
	vm12 =	veq.f32 v61, v7;
	vm13 =	vlt.s32 v62, v8  }
0x105: {  	v26 =	vld [tilespmem:s13+$0x44AD];
	vm7 =	vlt.s32 v22, v10;
	vm14 =	vgt.f32 v61, v7;
	vm1 =	vmand vm12, vm13  }
0x106: {  	v24 =	vld [tilespmem:s14+$0x3B7F];
	vm15 =	vgt.f32 v21, v9;
	vm8 =	vmand vm6, vm7;
	vm0 =	vmor vm14, vm1  }
0x107: {  	v27 =	vld [tilespmem:s14+$0x4FFF];
	v7 =	vsel vm0, v61, v7;
	v8 =	vsel vm0, v62, v8;
	vm0 =	vmor vm15, vm8  }
0x108: {  	vm9 =	veq.f32 v63, v7;
	vm10 =	vlt.s32 v23, v8;
	vm11 =	vgt.f32 v63, v7  }
0x109: {  	v28 =	vld [tilespmem:s13+$0x30CE];
	v9 =	vsel vm0, v21, v9;
	v10 =	vsel vm0, v22, v10;
	vm1 =	vmand vm9, vm10  }
0x10a: {  	v29 =	vld [tilespmem:s13+$0x454E];
	vm12 =	veq.f32 v25, v9;
	vm14 =	vlt.s32 v26, v10;
	vm1 =	vmor vm11, vm1  }
0x10b: {  	vm8 =	vgt.f32 v25, v9;
	v7 =	vsel vm1, v63, v7;
	v8 =	vsel vm1, v23, v8  }
0x10c: {  	vm0 =	vmand vm12, vm14;
	vm13 =	veq.f32 v24, v7;
	vm15 =	vlt.s32 v27, v8  }
0x10d: {  	v30 =	vld [tilespmem:s13+$0x316F];
	vm0 =	vmor vm8, vm0;
	vm9 =	vgt.f32 v24, v7;
	vm1 =	vmand vm13, vm15  }
0x10e: {  	v32 =	vld [tilespmem:s13+$0x45EF];
	v7 =	vsel vm0, v25, v9;
	v31 =	vsel vm0, v26, v10;
	vm1 =	vmor vm9, vm1  }
0x10f: {  	vm10 =	veq.f32 v28, v7;
	vm11 =	vlt.s32 v29, v31;
	v8 =	vsel vm1, v27, v8  }
0x110: {  	vm12 =	vgt.f32 v28, v7;
	vm0 =	vmand vm10, vm11;
	[tilespmem:s14+$0x5100] =	vst v8  }
0x111: {  	vm0 =	vmor vm12, vm0;
	v8 =	vld [tilespmem:s13+$0x3210]  }
0x112: {  	v7 =	vsel vm0, v28, v7;
	v9 =	vsel vm0, v29, v31;
	v33 =	vld [tilespmem:s13+$0x4690]  }
0x113: {  	vm13 =	veq.f32 v30, v7;
	vm14 =	vlt.s32 v32, v9  }
0x114: {  	vm15 =	vgt.f32 v30, v7;
	vm0 =	vmand vm13, vm14  }
0x115: {  	v34 =	vld [tilespmem:s13+$0x32B1];
	vm0 =	vmor vm15, vm0  }
0x116: {  	v35 =	vld [tilespmem:s13+$0x4731];
	v7 =	vsel vm0, v30, v7;
	v9 =	vsel vm0, v32, v9  }
0x117: {  	vm4 =	veq.f32 v8, v7;
	vm5 =	vlt.s32 v33, v9  }
0x118: {  	vm6 =	vgt.f32 v8, v7;
	vm0 =	vmand vm4, vm5  }
0x119: {  	v36 =	vld [tilespmem:s13+$0x3352];
	vm0 =	vmor vm6, vm0  }
0x11a: {  	v37 =	vld [tilespmem:s13+$0x47D2];
	v7 =	vsel vm0, v8, v7;
	v8 =	vsel vm0, v33, v9  }
0x11b: {  	vm7 =	veq.f32 v34, v7;
	vm8 =	vlt.s32 v35, v8  }
0x11c: {  	vm9 =	vgt.f32 v34, v7;
	vm0 =	vmand vm7, vm8  }
0x11d: {  	v38 =	vld [tilespmem:s13+$0x33F3];
	vm0 =	vmor vm9, vm0  }
0x11e: {  	v39 =	vld [tilespmem:s13+$0x4873];
	v7 =	vsel vm0, v34, v7;
	v8 =	vsel vm0, v35, v8  }
0x11f: {  	vm10 =	veq.f32 v36, v7;
	vm11 =	vlt.s32 v37, v8  }
0x120: {  	vm12 =	vgt.f32 v36, v7;
	vm0 =	vmand vm10, vm11  }
0x121: {  	v40 =	vld [tilespmem:s13+$0x3494];
	vm0 =	vmor vm12, vm0  }
0x122: {  	v41 =	vld [tilespmem:s13+$0x4914];
	v7 =	vsel vm0, v36, v7;
	v8 =	vsel vm0, v37, v8  }
0x123: {  	vm13 =	veq.f32 v38, v7;
	vm14 =	vlt.s32 v39, v8  }
0x124: {  	vm15 =	vgt.f32 v38, v7;
	vm0 =	vmand vm13, vm14  }
0x125: {  	v42 =	vld [tilespmem:s13+$0x3535];
	vm0 =	vmor vm15, vm0  }
0x126: {  	v43 =	vld [tilespmem:s13+$0x49B5];
	v7 =	vsel vm0, v38, v7;
	v8 =	vsel vm0, v39, v8  }
0x127: {  	vm4 =	veq.f32 v40, v7;
	vm5 =	vlt.s32 v41, v8  }
0x128: {  	vm6 =	vgt.f32 v40, v7;
	vm0 =	vmand vm4, vm5  }
0x129: {  	v44 =	vld [tilespmem:s13+$0x35D6];
	vm0 =	vmor vm6, vm0  }
0x12a: {  	v45 =	vld [tilespmem:s13+$0x4A56];
	v7 =	vsel vm0, v40, v7;
	v8 =	vsel vm0, v41, v8  }
0x12b: {  	vm7 =	veq.f32 v42, v7;
	vm8 =	vlt.s32 v43, v8  }
0x12c: {  	vm9 =	vgt.f32 v42, v7;
	vm0 =	vmand vm7, vm8  }
0x12d: {  	v46 =	vld [tilespmem:s13+$0x3677];
	vm0 =	vmor vm9, vm0  }
0x12e: {  	v47 =	vld [tilespmem:s13+$0x4AF7];
	v7 =	vsel vm0, v42, v7;
	v8 =	vsel vm0, v43, v8  }
0x12f: {  	vm10 =	veq.f32 v44, v7;
	vm11 =	vlt.s32 v45, v8  }
0x130: {  	vm12 =	vgt.f32 v44, v7;
	vm0 =	vmand vm10, vm11  }
0x131: {  	v48 =	vld [tilespmem:s13+$0x3718];
	vm0 =	vmor vm12, vm0  }
0x132: {  	v49 =	vld [tilespmem:s13+$0x4B98];
	v7 =	vsel vm0, v44, v7;
	v8 =	vsel vm0, v45, v8  }
0x133: {  	vm13 =	veq.f32 v46, v7;
	vm14 =	vlt.s32 v47, v8  }
0x134: {  	vm15 =	vgt.f32 v46, v7;
	vm0 =	vmand vm13, vm14  }
0x135: {  	v50 =	vld [tilespmem:s13+$0x37B9];
	vm0 =	vmor vm15, vm0  }
0x136: {  	v51 =	vld [tilespmem:s13+$0x4C39];
	v7 =	vsel vm0, v46, v7;
	v8 =	vsel vm0, v47, v8  }
0x137: {  	vm4 =	veq.f32 v48, v7;
	vm5 =	vlt.s32 v49, v8  }
0x138: {  	vm6 =	vgt.f32 v48, v7;
	vm0 =	vmand vm4, vm5  }
0x139: {  	v52 =	vld [tilespmem:s13+$0x385A];
	vm0 =	vmor vm6, vm0  }
0x13a: {  	v53 =	vld [tilespmem:s13+$0x4CDA];
	v7 =	vsel vm0, v48, v7;
	v8 =	vsel vm0, v49, v8  }
0x13b: {  	vm7 =	veq.f32 v50, v7;
	vm8 =	vlt.s32 v51, v8  }
0x13c: {  	vm9 =	vgt.f32 v50, v7;
	vm0 =	vmand vm7, vm8  }
0x13d: {  	v54 =	vld [tilespmem:s13+$0x38FB];
	vm0 =	vmor vm9, vm0  }
0x13e: {  	v55 =	vld [tilespmem:s13+$0x4D7B];
	v7 =	vsel vm0, v50, v7;
	v8 =	vsel vm0, v51, v8  }
0x13f: {  	vm10 =	veq.f32 v52, v7;
	vm11 =	vlt.s32 v53, v8  }
0x140: {  	vm12 =	vgt.f32 v52, v7;
	vm0 =	vmand vm10, vm11  }
0x141: {  	v56 =	vld [tilespmem:s13+$0x399C];
	vm0 =	vmor vm12, vm0  }
0x142: {  	v57 =	vld [tilespmem:s13+$0x4E1C];
	v7 =	vsel vm0, v52, v7;
	v8 =	vsel vm0, v53, v8  }
0x143: {  	vm13 =	veq.f32 v54, v7;
	vm14 =	vlt.s32 v55, v8  }
0x144: {  	vm15 =	vgt.f32 v54, v7;
	vm0 =	vmand vm13, vm14  }
0x145: {  	v58 =	vld [tilespmem:s13+$0x3A3D];
	vm0 =	vmor vm15, vm0  }
0x146: {  	v59 =	vld [tilespmem:s13+$0x4EBD];
	v7 =	vsel vm0, v54, v7;
	v8 =	vsel vm0, v55, v8  }
0x147: {  	vm4 =	veq.f32 v56, v7;
	vm5 =	vlt.s32 v57, v8  }
0x148: {  	vm6 =	vgt.f32 v56, v7;
	vm0 =	vmand vm4, vm5  }
0x149: {  	v60 =	vld [tilespmem:s13+$0x3ADE];
	vm0 =	vmor vm6, vm0  }
0x14a: {  	v61 =	vld [tilespmem:s13+$0x4F5E];
	v7 =	vsel vm0, v56, v7;
	v8 =	vsel vm0, v57, v8  }
0x14b: {  	vm7 =	veq.f32 v58, v7;
	vm8 =	vlt.s32 v59, v8  }
0x14c: {  	vm9 =	vgt.f32 v58, v7;
	vm0 =	vmand vm7, vm8  }
0x14d: {  	v62 =	vld [tilespmem:s13+$0x3B7F];
	vm0 =	vmor vm9, vm0  }
0x14e: {  	v63 =	vld [tilespmem:s13+$0x4FFF];
	v7 =	vsel vm0, v58, v7;
	v8 =	vsel vm0, v59, v8  }
0x14f: {  	vm10 =	veq.f32 v60, v7;
	vm11 =	vlt.s32 v61, v8  }
0x150: {  	vm12 =	vgt.f32 v60, v7;
	vm0 =	vmand vm10, vm11  }
0x151: {  	vm0 =	vmor vm12, vm0  }
0x152: {  	v7 =	vsel vm0, v60, v7;
	v8 =	vsel vm0, v61, v8  }
0x153: {  	vm13 =	veq.f32 v62, v7;
	vm14 =	vlt.s32 v63, v8  }
0x154: {  	vm15 =	vgt.f32 v62, v7;
	vm0 =	vmand vm13, vm14  }
0x155: {  	s12 =	sadd.s32 $0x1, s12;
	vm0 =	vmor vm15, vm0  }
0x156: {  	p0 =	sne.s32 s12, s6;
	v7 =	vsel vm0, v63, v8  }
.Ltmp3:
0x157: {  	[tilespmem:s13+$0x5100] =	vst v7;
	(pc) =	sbr.rel @p0 .LBB2_1-.Ltmp3, $4  }
0x158: {  	[hbm4b:s5+s2] =	stream.linear.scatter [tilespmem:s11], [sflag:$0x1], $0xA0, $0x38;
	[tilespmem:$0x5200] =	vst v63  }
0x159: {  	_ =	swait.ge [sflag:s7], $0xA0  }
0x15a: {  	[sflag:s7] =	ssyncset.done $0x0  }
0x15b: {  	[sflag:s7] =	ssyncadd.s32 $0xFFFFFF60  }
0x15c: {  	_ =	sfence.sel $0x180000  }
0x15d: {  	[bflag:$0x0] =	sbarrier.arrive $0xFFFF  }
0x15e: {  	p0 =	sne.s32 s0, $0x0;
	_ =	strace $0x90000047  }
0x15f: {  	s0 =	sadd.s32 @!p0 $0x100000, s1;
	[bflag:$0x2] =	sbarrier.arrive $0xFFFF  }
0x160: {  	[sflag:s0] =	ssyncadd.tile.s32 @!p0 $0x1;
	_ =	shalt  }
.Lfunc_end2:
_tile_overlayer_lowered:
.L_overlay_start_2:
0x161: {  	(tag) =	ssettag $0x2  }
0x162: {  	s0 =	rddreg [dreg:$0x0];
	s2 =	stileid.u32  }
0x163: {  	s1 =	rddreg [dreg:$0x1];
	p0 =	sne.s32 s2, $0x0  }
0x164: {  	s3 =	rddreg [dreg:$0x2];
	[bflag:$0x3] =	sbarrier.arrive $0xFFFF;
	s2 =	simm.s32 @!p0 $0x1C01  }
0x165: {  	[timem:s3], [sflag:s2] =	dma.local @!p0 [hbm:s0], s1  }
0x166: {  	s0 =	simm.s32 @!p0 $0x1  }
0x167: {  	_ =	swait.ge @!p0 [sflag:s0], s1  }
0x168: {  	s1 =	ssub.s32 @!p0 $0x0, s1;
	[sflag:s0] =	ssyncset.done @!p0 $0x0  }
0x169: {  	[sflag:s0] =	ssyncadd.s32 @!p0 s1  }
0x16a: {  	[bflag:$0x3] =	sbarrier.arrive $0xFFFF  }
0x16b: {  	_ =	shalt  }

// kernel: kernel.9.cloned.1.call-start
scs
__scs_entry_jumppad:
0x0: {  	(pc) =	sbr.rel $0x88, $3  }
0x1: {  	(tag) =	ssettag $0x0;
	lr =	simm.s32 $0x1  }
0x2: {  	[smem:$0x3F9B] =	sst lr;
	_ =	strace $0xD0000000  }
0x3: {  	_ = 	snop  }
0x4: {  	_ = 	snop  }
0x5: {  	_ = 	snop  }
0x6: {  	_ = 	snop  }
0x7: {  	_ = 	snop  }
__scs_overlays_trampoline_lowered:
0x8: {  	[smem:$0x3FAA] =	sst s0  }
0x9: {  	[smem:$0x3FAB] =	sst s1  }
0xa: {  	[smem:$0x3FAC] =	sst s2  }
0xb: {  	[smem:$0x3FAD] =	sst s3  }
0xc: {  	[smem:$0x3FAE] =	sst s4  }
0xd: {  	[smem:$0x3FAF] =	sst s5  }
0xe: {  	[smem:$0x3FB0] =	sst s6  }
0xf: {  	[smem:$0x3FB1] =	sst s7  }
0x10: {  	[smem:$0x3FB2] =	sst s8  }
0x11: {  	[smem:$0x3FB3] =	sst s9;
	s0 =	simm.s32 @!p0 $0x0  }
0x12: {  	s1 =	sld [smem:$0x3F99];
	s0 =	simm.s32 @p0 $0x1  }
0x13: {  	[smem:$0x3FB4] =	sst s0;
	s0 =	simm.s32 @!p1 $0x0  }
0x14: {  	s2 =	sld [smem:$0x3F98];
	s0 =	simm.s32 @p1 $0x1  }
0x15: {  	[smem:$0x3FB5] =	sst s0;
	s0 =	simm.s32 @!p2 $0x0  }
0x16: {  	s3 =	sld [smem:$0x3FDB];
	s0 =	simm.s32 @p2 $0x1  }
0x17: {  	s4 =	simm.s32 $0x1BF5;
	[smem:$0x3FB7] =	sst s0  }
0x18: {  	s0 =	sld [smem:$0x3F9A];
	_ =	swait.ge [sflag:s4], $0x0  }
0x19: {  	s7 =	sld [smem:$0x3F9B]  }
0x1a: {  	s8 =	sadd.s32 $0xFFFFE003, lr  }
0x1b: {  	s9 =	sadd.s32 $0xFFFFFEF7, lr;
	s5 =	simm.s32 $0xFFFFFFFF;
	p2 =	slt.u32 s8, $0xFFFFF086  }
0x1c: {  	p1 =	slt.u32 s9, $0xF7A;
	s5 =	simm.s32 @!p2 $0x0  }
0x1d: {  	s5 =	simm.s32 @p1 $0x1;
	p0 =	seq.s32 s7, s2  }
0x1e: {  	s7 =	smul.u32 @!p0 $0xF7A, s2;
	p2 =	seq.s32 @!p0 s5, $0x0  }
0x1f: {  	s9 =	smul.u32 $0xF7A, s1;
	s8 =	simm.s32 @!p0 $0x1BF5;
	p2 =	por !p2, p0  }
0x20: {  	[sflag:s8] =	ssyncset.s32 @!p0 $0xFFFFF086;
	s6 =	sadd.s32 @!p0 s3, s7;
	s7 =	simm.s32 @!p0 $0x108  }
0x21: {  	s3 =	sadd.s32 s3, s9;
	s6 =	sadd.s32 @!p0 $0x88, s6;
	s7 =	simm.s32 @p2 $0x1082  }
0x22: {  	[simem:s7], [sflag:s8] =	dma.local @!p0 [hbm:s6], $0xF7A  }
0x23: {  	s9 =	sor.u32 $0xD0000000, s2;
	s6 =	simm.s32 $0x108;
	_ =	swait.ge @!p0 [sflag:s8], $0x0  }
0x24: {  	s3 =	sadd.s32 $0x88, s3;
	s6 =	simm.s32 @!p1 $0x1082;
	[sflag:s4] =	ssyncset.s32 $0xFFFFF086  }
0x25: {  	[simem:s6], [sflag:s4] =	dma.local [hbm:s3], $0xF7A  }
0x26: {  	[smem:$0x3F9B] =	sst s1;
	(tag) =	ssettag s2;
	_ =	strace s9  }
0x27: {  	s1 =	sld [smem:$0x3FAB]  }
0x28: {  	s2 =	sld [smem:$0x3FAC]  }
0x29: {  	s4 =	sld [smem:$0x3FAE]  }
0x2a: {  	p0 =	seq.s32 s5, $0x0;
	s5 =	sld [smem:$0x3FAF]  }
0x2b: {  	s6 =	sld [smem:$0x3FB0]  }
0x2c: {  	s7 =	sld [smem:$0x3FB1]  }
0x2d: {  	s3 =	simm.s32 $0x108;
	s8 =	sld [smem:$0x3FB2]  }
0x2e: {  	s3 =	simm.s32 @!p0 $0x1082;
	s9 =	sld [smem:$0x3FB3]  }
0x2f: {  	lr =	sadd.s32 s0, s3;
	s0 =	sld [smem:$0x3FAA]  }
0x30: {  	s3 =	sld [smem:$0x3FAD]  }
0x31: {  	[smem:$0x3FB6] =	sst s10  }
0x32: {  	s10 =	sld [smem:$0x3FB4];
	_ =	sdelay $0x3  }
0x33: {  	p0 =	seq.s32 s10, $0x1;
	s10 =	sld [smem:$0x3FB6];
	_ =	sdelay $0x3  }
0x34: {  	[smem:$0x3FB6] =	sst s10  }
0x35: {  	s10 =	sld [smem:$0x3FB5];
	_ =	sdelay $0x3  }
0x36: {  	p1 =	seq.s32 s10, $0x1;
	s10 =	sld [smem:$0x3FB6];
	_ =	sdelay $0x3  }
0x37: {  	[smem:$0x3FB6] =	sst s10  }
0x38: {  	s10 =	sld [smem:$0x3FB7]  }
0x39: {  	_ = 	snop;
	(pc) =	sbr.ind lr, $3  }
0x3a: {  	_ = 	snop  }
0x3b: {  	_ = 	snop  }
0x3c: {  	p2 =	seq.s32 s10, $0x1;
	s10 =	sld [smem:$0x3FB6]  }
0x3d: {  	_ =	shalt  }
0x3e: {  	_ =	shalt  }
0x3f: {  	_ =	shalt  }
0x40: {  	_ =	shalt  }
0x41: {  	_ =	shalt  }
0x42: {  	_ =	shalt  }
0x43: {  	_ =	shalt  }
0x44: {  	_ =	shalt  }
0x45: {  	_ =	shalt  }
0x46: {  	_ =	shalt  }
0x47: {  	_ =	shalt  }
0x48: {  	_ =	shalt  }
0x49: {  	_ =	shalt  }
0x4a: {  	_ =	shalt  }
0x4b: {  	_ =	shalt  }
0x4c: {  	_ =	shalt  }
0x4d: {  	_ =	shalt  }
0x4e: {  	_ =	shalt  }
0x4f: {  	_ =	shalt  }
0x50: {  	_ =	shalt  }
0x51: {  	_ =	shalt  }
0x52: {  	_ =	shalt  }
0x53: {  	_ =	shalt  }
0x54: {  	_ =	shalt  }
0x55: {  	_ =	shalt  }
0x56: {  	_ =	shalt  }
0x57: {  	_ =	shalt  }
0x58: {  	_ =	shalt  }
0x59: {  	_ =	shalt  }
0x5a: {  	_ =	shalt  }
0x5b: {  	_ =	shalt  }
0x5c: {  	_ =	shalt  }
0x5d: {  	_ =	shalt  }
0x5e: {  	_ =	shalt  }
0x5f: {  	_ =	shalt  }
0x60: {  	_ =	shalt  }
0x61: {  	_ =	shalt  }
0x62: {  	_ =	shalt  }
0x63: {  	_ =	shalt  }
0x64: {  	_ =	shalt  }
0x65: {  	_ =	shalt  }
0x66: {  	_ =	shalt  }
0x67: {  	_ =	shalt  }
0x68: {  	_ =	shalt  }
0x69: {  	_ =	shalt  }
0x6a: {  	_ =	shalt  }
0x6b: {  	_ =	shalt  }
0x6c: {  	_ =	shalt  }
0x6d: {  	_ =	shalt  }
0x6e: {  	_ =	shalt  }
0x6f: {  	_ =	shalt  }
0x70: {  	_ =	shalt  }
0x71: {  	_ =	shalt  }
0x72: {  	_ =	shalt  }
0x73: {  	_ =	shalt  }
0x74: {  	_ =	shalt  }
0x75: {  	_ =	shalt  }
0x76: {  	_ =	shalt  }
0x77: {  	_ =	shalt  }
0x78: {  	_ =	shalt  }
0x79: {  	_ =	shalt  }
0x7a: {  	_ =	shalt  }
0x7b: {  	_ =	shalt  }
0x7c: {  	_ =	shalt  }
0x7d: {  	_ =	shalt  }
0x7e: {  	_ =	shalt  }
0x7f: {  	_ =	shalt  }
0x80: {  	_ =	shalt  }
0x81: {  	_ =	shalt  }
0x82: {  	_ =	shalt  }
0x83: {  	_ =	shalt  }
0x84: {  	_ =	shalt  }
0x85: {  	_ =	shalt  }
0x86: {  	_ =	shalt  }
0x87: {  	_ =	shalt  }
.Lfunc_end0:
.L_simem_size_0:
called_computation.1_lowered:
.L_overlay_start_0:
0x88: {  	s2 =	sld [smem:$0x3FD9]  }
0x89: {  	s3 =	sld [smem:$0x3FFE];
	_ =	sdelay $0x1  }
0x8a: {  	s1 =	srdreg.scid  }
0x8b: {  	s0 =	sand.u32 $0x1, s1  }
0x8c: {  	s14 =	sshll.u32 s0, $0xA;
	s2 =	sadd.s32 s3, s2  }
0x8d: {  	s2 =	sadd.s32 s2, s14  }
0x8e: {  	[smem:$0x3FC2] =	sst s2  }
0x8f: {  	_ = 	snop  }
0x90: {  	s2 =	sld [smem:$0x3FD0];
	_ =	sdelay $0x2  }
0x91: {  	s15 =	simm.s32 $0xA;
	s4 =	simm.s32 $0x10  }
0x92: {  	[smem:s4], [sflag:s15] =	dma.local [hbm:s2], $0x1  }
0x93: {  	_ =	swait.eq [sflag:s15], $0x1  }
0x94: {  	[sflag:s15] =	ssyncset.done $0x0  }
0x95: {  	[sflag:s15] =	ssyncadd.s32 $0xFFFFFFFF  }
0x96: {  	s16 =	sld [smem:$0x10];
	(tm) =	ssettm $0x1  }
0x97: {  	s17 =	sld [smem:$0x3FFB];
	_ =	sdelay $0x3  }
0x98: {  	_ =	strace s17  }
0x99: {  	s3 =	sld [smem:$0x3FFC];
	_ =	sdelay $0x3  }
0x9a: {  	_ =	strace s3  }
0x9b: {  	s3 =	sld [smem:$0x3FFD];
	_ =	sdelay $0x3  }
0x9c: {  	_ =	strace s3  }
0x9d: {  	_ =	strace $0x8FFFFFFF  }
0x9e: {  	s18 =	sld [smem:$0x3FDB];
	_ =	sdelay $0x1  }
0x9f: {  	s19 =	simm.s32 $_scs_section_size  }
0xa0: {  	s5 =	simm.s32 $_size__tile_overlayer_lowered;
	s6 =	simm.s32 $_tile_overlayer_lowered  }
0xa1: {  	s22 =	simm.s32 $0x1BFF;
	s21 =	sshll.u32 s6, $0x1;
	s3 =	sadd.s32 s19, s18  }
0xa2: {  	s7 =	simm.s32 $0x0;
	s20 =	sshll.u32 s5, $0x1;
	s5 =	sadd.s32 s21, s3  }
0xa3: {  	[timem:s7], [sflag:s22] =	dma.local [hbm:s5], s20  }
0xa4: {  	_ =	swait.ge [sflag:s22], s20  }
0xa5: {  	s4 =	ssub.s32 $0x0, s20;
	[sflag:s22] =	ssyncset.done $0x0  }
0xa6: {  	[sflag:s22] =	ssyncadd.s32 s4;
	_ =	sdelay $0x1  }
0xa7: {  	s23 =	simm.s32 $0x1B8B  }
0xa8: {  	_ =	swait.ge [sflag:s23], $0x1  }
0xa9: {  	[sflag:s23] =	ssyncset.done $0x0  }
0xaa: {  	s25 =	simm.s32 $0x1B8E;
	s24 =	sld [smem:$0x3FFE];
	[sflag:s23] =	ssyncadd.s32 $0xFFFFFFFF  }
0xab: {  	s26 =	simm.s32 $execute0_lowered;
	[smem:$0x3FD2] =	sst s25  }
0xac: {  	s5 =	sshll.u32 s26, $0x1;
	_ =	strace $0x80000049;
	[dreg:$0x1] =	wrdreg $0xFFFFFFFF  }
0xad: {  	s28 =	simm.s32 $_size_execute0_lowered;
	s3 =	sadd.s32 s3, s5;
	[dreg:$0x0] =	wrdreg $0x0  }
0xae: {  	s5 =	sshll.u32 s28, $0x1;
	[dreg:$0x2] =	wrdreg s3  }
0xaf: {  	[dreg:$0x3] =	wrdreg s5  }
0xb0: {  	[dreg:$0x4] =	wrdreg $0xC0  }
0xb1: {  	_ =	task [dreg:s7], $0x5FFFF  }
0xb2: {  	[dreg:$0x1] =	wrdreg $0xFFFFFFFF  }
0xb3: {  	[dreg:$0x0] =	wrdreg $0x60  }
0xb4: {  	[dreg:$0x2] =	wrdreg s24  }
0xb5: {  	[dreg:$0x3] =	wrdreg s16  }
0xb6: {  	[dreg:$0x4] =	wrdreg $0x9  }
0xb7: {  	_ =	task.clear_ibuf [dreg:s7], $0x5FFFF;
	_ =	strace $0x90000049  }
0xb8: {  	s29 =	simm.s32 $0x9;
	_ =	strace $0x8000004B  }
0xb9: {  	_ =	swait.ge [sflag:s29], $0x1  }
0xba: {  	[sflag:s29] =	ssyncadd.s32 $0xFFFFFFFF  }
0xbb: {  	_ =	strace $0x9000004B  }
0xbc: {  	_ =	sfence  }
0xbd: {  	s30 =	sld [smem:$0x0];
	_ =	sdelay $0x2  }
0xbe: {  	s31 =	sshll.u32 s1, $0xD;
	s1 =	sshrl.u32 s1, $0x2  }
0xbf: {  	s3 =	sand.u32 $0x4000, s31;
	s1 =	sadd.s32 s1, s30  }
0xc0: {  	s0 =	sor.u32 s3, s0;
	s1 =	sshll.u32 s1, $0x11  }
0xc1: {  	s0 =	sor.u32 s1, s0  }
0xc2: {  	s0 =	sadd.s32 $0x8F2B, s0  }
0xc3: {  	[sflag:s0] =	ssyncadd.remote.s32 $0x1  }
0xc4: {  	_ =	sfence.sel $0xFFFF  }
0xc5: {  	[dreg:$0x0] =	wrdreg $0xFFFFFFFF;
	(pc) =	sbr.abs _section_cstart, $3  }
0xc6: {  	[dreg:$0x1] =	wrdreg $0xFFFFFFFF  }
0xc7: {  	_ =	task.clear_ibuf [dreg:s7], $0x2FFFF;
	_ =	strace $0x9FFFFFFF  }
0xc8: {  	(tm) =	ssettm $0x7FFFFFFF  }
0xc9: {  	_ =	shalt  }
tec
execute0_lowered:
.L_overlay_start_1:
0x0: {  	(tag) =	ssettag $0x1  }
0x1: {  	s1 =	srdreg.scid  }
0x2: {  	s0 =	stileid.u32;
	s3 =	rddreg [dreg:$0x0]  }
0x3: {  	s6 =	rddreg [dreg:$0x1];
	s5 =	sand.u32 $0x1, s1;
	s30 =	sshll.u32 s0, $0x1  }
0x4: {  	s2 =	simm.s32 $0x0;
	s10 =	smul.u32 $0x140, s0;
	s1 =	sor.u32 s5, s30  }
0x5: {  	s12 =	simm.s32 $0x1600;
	s13 =	simm.s32 $0x0;
	s4 =	smul.u32 $0xA0, s1  }
0x6: {  	[smem:$0x7FF] =	sst s2;
	s31 =	ssub.s32 $0x2, s5;
	s11 =	smul.u32 $0xA0, s5  }
0x7: {  	s1 =	rddreg [dreg:$0x2];
	s9 =	sshrl.u32 s31, $0x1;
	s7 =	sshrl.u32 s4, $0x3  }
0x8: {  	_ =	strace $0x8000004A;
	s9 =	ssub.s32 s31, s9;
	s8 =	sadd.s32 s7, s3  }
0x9: {  	s3 =	sadd.s32 $0xE00, s3;
	s6 =	sadd.s32 s6, s7;
	s7 =	smax.u32 s9, $0x1  }
0xa: {  	s9 =	simm.s32 $0x200;
	s4 =	sadd.s32 $0x14E00, s8;
	s5 =	sadd.s32 $0x15200, s8  }
0xb: {  	v0 =	vlaneseq.u32;
	s8 =	sadd.s32 s11, s10;
	s10 =	simm.s32 $0x1;
	s11 =	simm.s32 $0x100  }
.LBB2_1:
0xc: {  	[tilespmem:s9], [sflag:$0x1] =	stream.linear.gather [hbm4b:s3+s2], $0x1400, $0x38;
	[tilespmem:$0x1700] =	vst v63  }
0xd: {  	_ =	swait.ge [sflag:s10], $0x1400  }
0xe: {  	[sflag:s10] =	ssyncset.done $0x0  }
0xf: {  	[sflag:s10] =	ssyncadd.s32 $0xFFFFEC00  }
0x10: {  	[tilespmem:s2], [sflag:$0x1] =	stream.linear.gather [hbm4b:s4+s2], $0xA0, $0x38;
	[tilespmem:$0x1700] =	vst v63  }
0x11: {  	_ =	swait.ge [sflag:s10], $0xA0  }
0x12: {  	[sflag:s10] =	ssyncset.done $0x0  }
0x13: {  	[sflag:s10] =	ssyncadd.s32 $0xFFFFFF60  }
0x14: {  	[tilespmem:s11], [sflag:$0x1] =	stream.linear.gather [hbm4b:s5+s2], $0xA0, $0x38;
	[tilespmem:$0x1700] =	vst v63  }
0x15: {  	_ =	swait.ge [sflag:s10], $0xA0  }
0x16: {  	[sflag:s10] =	ssyncset.done $0x0  }
0x17: {  	s15 =	simm.s32 $0x0;
	[sflag:s10] =	ssyncadd.s32 $0xFFFFFF60  }
0x18: {  	v2 =	vld [tilespmem:s15+$0x100];
	_ =	sdelay $0x6  }
0x19: {  	v4 =	vld [tilespmem:s15+$0x0]  }
0x1a: {  	s14 =	simm.s32 $0x10;
	v3 =	vld.idx.msk [tilespmem:v2+s9+$0x0], $0xffff  }
0x1b: {  	v1 =	vld [tilespmem:s14+$0x100];
	_ =	sdelay $0x2  }
0x1c: {  	v5 =	vor.u32 s8, v0  }
0x1d: {  	vm0 =	vgt.f32 v4, $3.000000120e-01;
	vm1 =	veq.s32 v3, v5  }
0x1e: {  	vm0 =	vmand vm0, vm1  }
0x1f: {  	v2 =	vnsel vm0, $0xFFFFFFFF, v2  }
0x20: {  	[tilespmem:s15+$0x1600] =	vst v2  }
0x21: {  	v2 =	vld.idx.msk [tilespmem:v1+s9+$0x0], $0xffff  }
0x22: {  	s17 =	simm.s32 $0xC0;
	s16 =	smov.u32 s8;
	s15 =	simm.s32 $0x20;
	v3 =	vld [tilespmem:s14+$0x0]  }
.LBB2_2:
0x23: {  	p0 =	sne.s32 s17, $0x240;
	v4 =	vld [tilespmem:s15+$0x100];
	_ =	sdelay $0x1  }
0x24: {  	s16 =	sadd.s32 $0x10, s16  }
0x25: {  	v5 =	vor.u32 s16, v0  }
0x26: {  	vm1 =	veq.s32 v2, v5;
	vm0 =	vgt.f32 v3, $3.000000120e-01  }
.Ltmp0:
0x27: {  	vm0 =	vmand vm0, vm1;
	(pc) =	sbr.rel @p0 .LBB2_2-.Ltmp0, $4  }
0x28: {  	v2 =	vnsel vm0, $0xFFFFFFFF, v1;
	v1 =	vmov v4  }
0x29: {  	[tilespmem:s14+$0x1600] =	vst v2;
	s14 =	smov.u32 s15  }
0x2a: {  	v2 =	vld.idx.msk [tilespmem:v4+s9+$0x0], $0xffff  }
0x2b: {  	s15 =	sshra.s32 s17, $0x2;
	s17 =	sadd.s32 $0x40, s17;
	v3 =	vld [tilespmem:s14+$0x0]  }
0x2c: {  	v4 =	vld [tilespmem:s15+$0x100];
	_ =	sdelay $0x1  }
0x2d: {  	s16 =	sadd.s32 $0x10, s16  }
0x2e: {  	v5 =	vor.u32 s16, v0  }
0x2f: {  	vm1 =	veq.s32 v2, v5;
	vm0 =	vgt.f32 v3, $3.000000120e-01  }
0x30: {  	vm0 =	vmand vm0, vm1  }
0x31: {  	v1 =	vnsel vm0, $0xFFFFFFFF, v1  }
0x32: {  	[tilespmem:s14+$0x1600] =	vst v1  }
0x33: {  	v1 =	vld.idx.msk [tilespmem:v4+s9+$0x0], $0xffff  }
0x34: {  	v2 =	vld [tilespmem:s15+$0x0];
	_ =	sdelay $0x2  }
0x35: {  	s31 =	sadd.s32 $0x10, s16  }
0x36: {  	v3 =	vor.u32 s31, v0  }
0x37: {  	vm14 =	vgt.f32 v2, $3.000000120e-01;
	vm15 =	veq.s32 v1, v3  }
0x38: {  	s13 =	sadd.s32 $0x1, s13;
	vm0 =	vmand vm14, vm15  }
0x39: {  	p0 =	sne.s32 s13, s7;
	v1 =	vnsel vm0, $0xFFFFFFFF, v4  }
.Ltmp1:
0x3a: {  	[tilespmem:s15+$0x1600] =	vst v1;
	(pc) =	sbr.rel @p0 .LBB2_1-.Ltmp1, $4  }
0x3b: {  	[hbm4b:s6+s2] =	stream.linear.scatter [tilespmem:s12], [sflag:$0x1], $0xA0, $0x38;
	[tilespmem:$0x1700] =	vst v63  }
0x3c: {  	_ =	swait.ge [sflag:s10], $0xA0  }
0x3d: {  	[sflag:s10] =	ssyncset.done $0x0  }
0x3e: {  	[sflag:s10] =	ssyncadd.s32 $0xFFFFFF60  }
0x3f: {  	_ =	sfence.sel $0x180000  }
0x40: {  	[bflag:$0x0] =	sbarrier.arrive $0xFFFF  }
0x41: {  	p0 =	sne.s32 s0, $0x0;
	_ =	strace $0x9000004A  }
0x42: {  	s0 =	sadd.s32 @!p0 $0x100000, s1;
	[bflag:$0x2] =	sbarrier.arrive $0xFFFF  }
0x43: {  	[sflag:s0] =	ssyncadd.tile.s32 @!p0 $0x1;
	_ =	shalt  }
.Lfunc_end2:
_tile_overlayer_lowered:
.L_overlay_start_2:
0x44: {  	(tag) =	ssettag $0x2  }
0x45: {  	s0 =	rddreg [dreg:$0x0];
	s2 =	stileid.u32  }
0x46: {  	s1 =	rddreg [dreg:$0x1];
	p0 =	sne.s32 s2, $0x0  }
0x47: {  	s3 =	rddreg [dreg:$0x2];
	[bflag:$0x3] =	sbarrier.arrive $0xFFFF;
	s2 =	simm.s32 @!p0 $0x1C01  }
0x48: {  	[timem:s3], [sflag:s2] =	dma.local @!p0 [hbm:s0], s1  }
0x49: {  	s0 =	simm.s32 @!p0 $0x1  }
0x4a: {  	_ =	swait.ge @!p0 [sflag:s0], s1  }
0x4b: {  	s1 =	ssub.s32 @!p0 $0x0, s1;
	[sflag:s0] =	ssyncset.done @!p0 $0x0  }
0x4c: {  	[sflag:s0] =	ssyncadd.s32 @!p0 s1  }
0x4d: {  	[bflag:$0x3] =	sbarrier.arrive $0xFFFF  }
0x4e: {  	_ =	shalt  }

</sc_bundles>
